<compile_context>
chip_gen: v7x
topology: tpu7x:2x2x1
jax: 0.10.2.dev20260603
libtpu: 0.0.44.dev20260713+nightly
codegen_flags: <defaults>
</compile_context>

<pallas_src>
import functools

import jax
import jax.numpy as jnp
from jax import lax
from jax.experimental import pallas as pl
from jax.experimental.pallas import tpu as pltpu
from jax.experimental.pallas import tpu_sc as plsc

BATCH = 16384
INPUT_DIM = 1000000
L = 26
NC = 2
NS = 16
NW = NC * NS
RPT = BATCH // NW
IPT = RPT * L
L0 = 13
L1 = L - L0


def _sc_kernel(xt_hbm, w_hbm, b_hbm, out_hbm, x_v, vals_v, b_v, acc_v,
               sem_a, sem_b, sem_g):
    wid = lax.axis_index("s") * NC + lax.axis_index("c")
    col = pl.ds(wid * RPT, RPT)

    ha = [
        pltpu.async_copy(xt_hbm.at[j].at[col], x_v.at[pl.ds(j * RPT, RPT)],
                         sem_a)
        for j in range(L0)
    ]
    hb = [
        pltpu.async_copy(xt_hbm.at[j].at[col], x_v.at[pl.ds(j * RPT, RPT)],
                         sem_b)
        for j in range(L0, L)
    ]
    pltpu.sync_copy(b_hbm, b_v)
    for h in ha:
        h.wait()
    g0 = pltpu.async_copy(
        w_hbm.at[0].at[x_v.at[pl.ds(0, L0 * RPT)]],
        vals_v.at[pl.ds(0, L0 * RPT)], sem_g)
    for h in hb:
        h.wait()
    g1 = pltpu.async_copy(
        w_hbm.at[0].at[x_v.at[pl.ds(L0 * RPT, L1 * RPT)]],
        vals_v.at[pl.ds(L0 * RPT, L1 * RPT)], sem_b)
    g0.wait()

    def body0(g, _):
        base = g * 16
        acc = jnp.zeros((16,), jnp.float32)
        for j in range(L0):
            acc = acc + vals_v[pl.ds(j * RPT + base, 16)]
        acc_v[pl.ds(base, 16)] = acc
        return 0

    lax.fori_loop(0, RPT // 16, body0, 0)

    g1.wait()
    bias = b_v[...]

    def body1(g, _):
        base = g * 16
        acc = acc_v[pl.ds(base, 16)]
        for j in range(L0, L):
            acc = acc + vals_v[pl.ds(j * RPT + base, 16)]
        z = (acc + bias) * 2.0
        acc_v[pl.ds(base, 16)] = 1.0 / (1.0 + jnp.exp(-z))
        return 0

    lax.fori_loop(0, RPT // 16, body1, 0)

    pltpu.sync_copy(acc_v, out_hbm.at[pl.ds(wid * RPT, RPT)])


@jax.jit
def _run(xt, w_flat, b16):
    mesh = plsc.VectorSubcoreMesh(core_axis_name="c", subcore_axis_name="s")
    f = functools.partial(
        pl.kernel,
        mesh=mesh,
        out_type=jax.ShapeDtypeStruct((BATCH,), jnp.float32),
        scratch_types=[
            pltpu.VMEM((IPT,), jnp.int32),
            pltpu.VMEM((IPT,), jnp.float32),
            pltpu.VMEM((16,), jnp.float32),
            pltpu.VMEM((RPT,), jnp.float32),
            pltpu.SemaphoreType.DMA,
            pltpu.SemaphoreType.DMA,
            pltpu.SemaphoreType.DMA,
        ],
    )(_sc_kernel)
    return f(xt, w_flat, b16)


def kernel(x, w, b):
    xt = x.T
    w_flat = w.reshape(1, INPUT_DIM)
    b16 = jnp.broadcast_to(b, (16,))
    out = _run(xt, w_flat, b16)
    return out.reshape(BATCH, 1)

# --- scband reference (transcript-rebuilt; emitter-appended) ---
"""Pipeline reference for scband-lr-87067577025518 (READ-ONLY COPY).

The authoritative reference and input builder live on the scoring server;
editing this copy changes nothing except your own understanding.
"""

import jax, jax.numpy as jnp
import numpy as np

INPUT_DIM = 1000000
BATCH = 16384
INPUT_LENGTH = 26

def setup_inputs(seed: int = 0) -> dict:
    key = jax.random.key(seed)
    k1, k2 = jax.random.split(key, 2)
    x = jax.random.randint(k1, (BATCH, INPUT_LENGTH), 0, INPUT_DIM, dtype=jnp.int32)
    # learned params: w initialized 'uniform' (keras uniform init ~ U(-0.05, 0.05)), b zeros
    w = jax.random.uniform(k2, (INPUT_DIM, 1), minval=-0.05, maxval=0.05, dtype=jnp.float32)
    b = jnp.zeros((1,), dtype=jnp.float32)
    return {"x": x, "w": w, "b": b}

def reference(x, w, b):
    # faithful translation of LR.call (dropout=0 path)
    _w = jnp.take(w, x, axis=0)          # [B, L, 1]
    output = jnp.sum(_w, axis=1)          # [B, 1]
    output = output + b                   # bias
    output = output + jnp.reshape(output, (-1, 1))  # doubles output, as in original code
    return jax.nn.sigmoid(output)

if __name__ == "__main__":
    import jax
    _d = setup_inputs()
    print(jax.jit(kernel)(*tuple(_d.values())))

</pallas_src>

<mosaic_0001>
#map = affine_map<(d0, d1) -> (0, 0)>
#map1 = affine_map<(d0, d1) -> (0)>
module attributes {stable_mosaic.version = 14 : i64} {
  func.func @_sc_kernel(%arg0: i32, %arg1: i32, %arg2: memref<26x16384xi32, #tpu.memory_space<hbm>>, %arg3: memref<1x1000000xf32, #tpu.memory_space<hbm>>, %arg4: memref<16xf32, #tpu.memory_space<hbm>>, %arg5: memref<16384xf32, #tpu.memory_space<hbm>>, %arg6: memref<13312xi32, #tpu.memory_space<vmem>>, %arg7: memref<13312xf32, #tpu.memory_space<vmem>>, %arg8: memref<16xf32, #tpu.memory_space<vmem>>, %arg9: memref<512xf32, #tpu.memory_space<vmem>>, %arg10: memref<!tpu.dma_semaphore, #tpu.memory_space<semaphore_mem>>, %arg11: memref<!tpu.dma_semaphore, #tpu.memory_space<semaphore_mem>>, %arg12: memref<!tpu.dma_semaphore, #tpu.memory_space<semaphore_mem>>) attributes {dimension_semantics = [#tpu.dimension_semantics<core_parallel>, #tpu.dimension_semantics<subcore_parallel>], iteration_bounds = array<i64: 2, 16>, scalar_prefetch = 0 : i64, scratch_operands = 7 : i64, tpu.core_type = #tpu.core_type<sc_vector_subcore>, window_params = [{transform_indices = #map}, {transform_indices = #map}, {transform_indices = #map1}, {transform_indices = #map1}]} {
    %mul3A = arith.constant 2 : i32
    %mul3A_0 = arith.muli %arg1, %mul3A : i32
    %add3A = arith.addi %mul3A_0, %arg0 : i32
    %mul3A_1 = arith.constant 512 : i32
    %mul3A_2 = arith.muli %add3A, %mul3A_1 : i32
    %dma_start3A = arith.constant 0 : i32
    %dma_start3A_3 = arith.constant 0 : i32
    %dma_start3A_4 = tpu.memref_slice %arg6[%dma_start3A_3] : memref<13312xi32, #tpu.memory_space<vmem>> -> memref<512xi32, #tpu.memory_space<vmem>>
    %dma_start3A_5 = arith.constant 0 : i32
    %dma_start3A_6 = tpu.memref_slice %arg2[%dma_start3A, %dma_start3A_5] : memref<26x16384xi32, #tpu.memory_space<hbm>> -> memref<1x16384xi32, #tpu.memory_space<hbm>>
    %dma_start3A_7 = tpu.memref_squeeze %dma_start3A_6 : memref<1x16384xi32, #tpu.memory_space<hbm>> -> memref<16384xi32, #tpu.memory_space<hbm>>
    %dma_start3A_8 = tpu.memref_slice %dma_start3A_7[%mul3A_2] : memref<16384xi32, #tpu.memory_space<hbm>> -> memref<512xi32, #tpu.memory_space<hbm>>
    %dma_start3A_9 = arith.constant 0 : i32
    %dma_start3A_10 = tpu.memref_slice %arg6[%dma_start3A_9] : memref<13312xi32, #tpu.memory_space<vmem>> -> memref<512xi32, #tpu.memory_space<vmem>>
    %dma_start3A_11 = arith.constant 0 : i32
    %dma_start3A_12 = tpu.memref_slice %arg2[%dma_start3A, %dma_start3A_11] : memref<26x16384xi32, #tpu.memory_space<hbm>> -> memref<1x16384xi32, #tpu.memory_space<hbm>>
    %dma_start3A_13 = tpu.memref_squeeze %dma_start3A_12 : memref<1x16384xi32, #tpu.memory_space<hbm>> -> memref<16384xi32, #tpu.memory_space<hbm>>
    %dma_start3A_14 = tpu.memref_slice %dma_start3A_13[%mul3A_2] : memref<16384xi32, #tpu.memory_space<hbm>> -> memref<512xi32, #tpu.memory_space<hbm>>
    tpu.enqueue_dma source(%dma_start3A_14 : memref<512xi32, #tpu.memory_space<hbm>>) target(%dma_start3A_10 : memref<512xi32, #tpu.memory_space<vmem>>) target_semaphore(%arg10 : memref<!tpu.dma_semaphore, #tpu.memory_space<semaphore_mem>>)
    %dma_start3A_15 = arith.constant 1 : i32
    %dma_start3A_16 = arith.constant 512 : i32
    %dma_start3A_17 = tpu.memref_slice %arg6[%dma_start3A_16] : memref<13312xi32, #tpu.memory_space<vmem>> -> memref<512xi32, #tpu.memory_space<vmem>>
    %dma_start3A_18 = arith.constant 0 : i32
    %dma_start3A_19 = tpu.memref_slice %arg2[%dma_start3A_15, %dma_start3A_18] : memref<26x16384xi32, #tpu.memory_space<hbm>> -> memref<1x16384xi32, #tpu.memory_space<hbm>>
    %dma_start3A_20 = tpu.memref_squeeze %dma_start3A_19 : memref<1x16384xi32, #tpu.memory_space<hbm>> -> memref<16384xi32, #tpu.memory_space<hbm>>
    %dma_start3A_21 = tpu.memref_slice %dma_start3A_20[%mul3A_2] : memref<16384xi32, #tpu.memory_space<hbm>> -> memref<512xi32, #tpu.memory_space<hbm>>
    %dma_start3A_22 = arith.constant 512 : i32
    %dma_start3A_23 = tpu.memref_slice %arg6[%dma_start3A_22] : memref<13312xi32, #tpu.memory_space<vmem>> -> memref<512xi32, #tpu.memory_space<vmem>>
    %dma_start3A_24 = arith.constant 0 : i32
    %dma_start3A_25 = tpu.memref_slice %arg2[%dma_start3A_15, %dma_start3A_24] : memref<26x16384xi32, #tpu.memory_space<hbm>> -> memref<1x16384xi32, #tpu.memory_space<hbm>>
    %dma_start3A_26 = tpu.memref_squeeze %dma_start3A_25 : memref<1x16384xi32, #tpu.memory_space<hbm>> -> memref<16384xi32, #tpu.memory_space<hbm>>
    %dma_start3A_27 = tpu.memref_slice %dma_start3A_26[%mul3A_2] : memref<16384xi32, #tpu.memory_space<hbm>> -> memref<512xi32, #tpu.memory_space<hbm>>
    tpu.enqueue_dma source(%dma_start3A_27 : memref<512xi32, #tpu.memory_space<hbm>>) target(%dma_start3A_23 : memref<512xi32, #tpu.memory_space<vmem>>) target_semaphore(%arg10 : memref<!tpu.dma_semaphore, #tpu.memory_space<semaphore_mem>>)
    %dma_start3A_28 = arith.constant 2 : i32
    %dma_start3A_29 = arith.constant 1024 : i32
    %dma_start3A_30 = tpu.memref_slice %arg6[%dma_start3A_29] : memref<13312xi32, #tpu.memory_space<vmem>> -> memref<512xi32, #tpu.memory_space<vmem>>
    %dma_start3A_31 = arith.constant 0 : i32
    %dma_start3A_32 = tpu.memref_slice %arg2[%dma_start3A_28, %dma_start3A_31] : memref<26x16384xi32, #tpu.memory_space<hbm>> -> memref<1x16384xi32, #tpu.memory_space<hbm>>
    %dma_start3A_33 = tpu.memref_squeeze %dma_start3A_32 : memref<1x16384xi32, #tpu.memory_space<hbm>> -> memref<16384xi32, #tpu.memory_space<hbm>>
    %dma_start3A_34 = tpu.memref_slice %dma_start3A_33[%mul3A_2] : memref<16384xi32, #tpu.memory_space<hbm>> -> memref<512xi32, #tpu.memory_space<hbm>>
    %dma_start3A_35 = arith.constant 1024 : i32
    %dma_start3A_36 = tpu.memref_slice %arg6[%dma_start3A_35] : memref<13312xi32, #tpu.memory_space<vmem>> -> memref<512xi32, #tpu.memory_space<vmem>>
    %dma_start3A_37 = arith.constant 0 : i32
    %dma_start3A_38 = tpu.memref_slice %arg2[%dma_start3A_28, %dma_start3A_37] : memref<26x16384xi32, #tpu.memory_space<hbm>> -> memref<1x16384xi32, #tpu.memory_space<hbm>>
    %dma_start3A_39 = tpu.memref_squeeze %dma_start3A_38 : memref<1x16384xi32, #tpu.memory_space<hbm>> -> memref<16384xi32, #tpu.memory_space<hbm>>
    %dma_start3A_40 = tpu.memref_slice %dma_start3A_39[%mul3A_2] : memref<16384xi32, #tpu.memory_space<hbm>> -> memref<512xi32, #tpu.memory_space<hbm>>
    tpu.enqueue_dma source(%dma_start3A_40 : memref<512xi32, #tpu.memory_space<hbm>>) target(%dma_start3A_36 : memref<512xi32, #tpu.memory_space<vmem>>) target_semaphore(%arg10 : memref<!tpu.dma_semaphore, #tpu.memory_space<semaphore_mem>>)
    %dma_start3A_41 = arith.constant 3 : i32
    %dma_start3A_42 = arith.constant 1536 : i32
    %dma_start3A_43 = tpu.memref_slice %arg6[%dma_start3A_42] : memref<13312xi32, #tpu.memory_space<vmem>> -> memref<512xi32, #tpu.memory_space<vmem>>
    %dma_start3A_44 = arith.constant 0 : i32
    %dma_start3A_45 = tpu.memref_slice %arg2[%dma_start3A_41, %dma_start3A_44] : memref<26x16384xi32, #tpu.memory_space<hbm>> -> memref<1x16384xi32, #tpu.memory_space<hbm>>
    %dma_start3A_46 = tpu.memref_squeeze %dma_start3A_45 : memref<1x16384xi32, #tpu.memory_space<hbm>> -> memref<16384xi32, #tpu.memory_space<hbm>>
    %dma_start3A_47 = tpu.memref_slice %dma_start3A_46[%mul3A_2] : memref<16384xi32, #tpu.memory_space<hbm>> -> memref<512xi32, #tpu.memory_space<hbm>>
    %dma_start3A_48 = arith.constant 1536 : i32
    %dma_start3A_49 = tpu.memref_slice %arg6[%dma_start3A_48] : memref<13312xi32, #tpu.memory_space<vmem>> -> memref<512xi32, #tpu.memory_space<vmem>>
    %dma_start3A_50 = arith.constant 0 : i32
    %dma_start3A_51 = tpu.memref_slice %arg2[%dma_start3A_41, %dma_start3A_50] : memref<26x16384xi32, #tpu.memory_space<hbm>> -> memref<1x16384xi32, #tpu.memory_space<hbm>>
    %dma_start3A_52 = tpu.memref_squeeze %dma_start3A_51 : memref<1x16384xi32, #tpu.memory_space<hbm>> -> memref<16384xi32, #tpu.memory_space<hbm>>
    %dma_start3A_53 = tpu.memref_slice %dma_start3A_52[%mul3A_2] : memref<16384xi32, #tpu.memory_space<hbm>> -> memref<512xi32, #tpu.memory_space<hbm>>
    tpu.enqueue_dma source(%dma_start3A_53 : memref<512xi32, #tpu.memory_space<hbm>>) target(%dma_start3A_49 : memref<512xi32, #tpu.memory_space<vmem>>) target_semaphore(%arg10 : memref<!tpu.dma_semaphore, #tpu.memory_space<semaphore_mem>>)
    %dma_start3A_54 = arith.constant 4 : i32
    %dma_start3A_55 = arith.constant 2048 : i32
    %dma_start3A_56 = tpu.memref_slice %arg6[%dma_start3A_55] : memref<13312xi32, #tpu.memory_space<vmem>> -> memref<512xi32, #tpu.memory_space<vmem>>
    %dma_start3A_57 = arith.constant 0 : i32
    %dma_start3A_58 = tpu.memref_slice %arg2[%dma_start3A_54, %dma_start3A_57] : memref<26x16384xi32, #tpu.memory_space<hbm>> -> memref<1x16384xi32, #tpu.memory_space<hbm>>
    %dma_start3A_59 = tpu.memref_squeeze %dma_start3A_58 : memref<1x16384xi32, #tpu.memory_space<hbm>> -> memref<16384xi32, #tpu.memory_space<hbm>>
    %dma_start3A_60 = tpu.memref_slice %dma_start3A_59[%mul3A_2] : memref<16384xi32, #tpu.memory_space<hbm>> -> memref<512xi32, #tpu.memory_space<hbm>>
    %dma_start3A_61 = arith.constant 2048 : i32
    %dma_start3A_62 = tpu.memref_slice %arg6[%dma_start3A_61] : memref<13312xi32, #tpu.memory_space<vmem>> -> memref<512xi32, #tpu.memory_space<vmem>>
    %dma_start3A_63 = arith.constant 0 : i32
    %dma_start3A_64 = tpu.memref_slice %arg2[%dma_start3A_54, %dma_start3A_63] : memref<26x16384xi32, #tpu.memory_space<hbm>> -> memref<1x16384xi32, #tpu.memory_space<hbm>>
    %dma_start3A_65 = tpu.memref_squeeze %dma_start3A_64 : memref<1x16384xi32, #tpu.memory_space<hbm>> -> memref<16384xi32, #tpu.memory_space<hbm>>
    %dma_start3A_66 = tpu.memref_slice %dma_start3A_65[%mul3A_2] : memref<16384xi32, #tpu.memory_space<hbm>> -> memref<512xi32, #tpu.memory_space<hbm>>
    tpu.enqueue_dma source(%dma_start3A_66 : memref<512xi32, #tpu.memory_space<hbm>>) target(%dma_start3A_62 : memref<512xi32, #tpu.memory_space<vmem>>) target_semaphore(%arg10 : memref<!tpu.dma_semaphore, #tpu.memory_space<semaphore_mem>>)
    %dma_start3A_67 = arith.constant 5 : i32
    %dma_start3A_68 = arith.constant 2560 : i32
    %dma_start3A_69 = tpu.memref_slice %arg6[%dma_start3A_68] : memref<13312xi32, #tpu.memory_space<vmem>> -> memref<512xi32, #tpu.memory_space<vmem>>
    %dma_start3A_70 = arith.constant 0 : i32
    %dma_start3A_71 = tpu.memref_slice %arg2[%dma_start3A_67, %dma_start3A_70] : memref<26x16384xi32, #tpu.memory_space<hbm>> -> memref<1x16384xi32, #tpu.memory_space<hbm>>
    %dma_start3A_72 = tpu.memref_squeeze %dma_start3A_71 : memref<1x16384xi32, #tpu.memory_space<hbm>> -> memref<16384xi32, #tpu.memory_space<hbm>>
    %dma_start3A_73 = tpu.memref_slice %dma_start3A_72[%mul3A_2] : memref<16384xi32, #tpu.memory_space<hbm>> -> memref<512xi32, #tpu.memory_space<hbm>>
    %dma_start3A_74 = arith.constant 2560 : i32
    %dma_start3A_75 = tpu.memref_slice %arg6[%dma_start3A_74] : memref<13312xi32, #tpu.memory_space<vmem>> -> memref<512xi32, #tpu.memory_space<vmem>>
    %dma_start3A_76 = arith.constant 0 : i32
    %dma_start3A_77 = tpu.memref_slice %arg2[%dma_start3A_67, %dma_start3A_76] : memref<26x16384xi32, #tpu.memory_space<hbm>> -> memref<1x16384xi32, #tpu.memory_space<hbm>>
    %dma_start3A_78 = tpu.memref_squeeze %dma_start3A_77 : memref<1x16384xi32, #tpu.memory_space<hbm>> -> memref<16384xi32, #tpu.memory_space<hbm>>
    %dma_start3A_79 = tpu.memref_slice %dma_start3A_78[%mul3A_2] : memref<16384xi32, #tpu.memory_space<hbm>> -> memref<512xi32, #tpu.memory_space<hbm>>
    tpu.enqueue_dma source(%dma_start3A_79 : memref<512xi32, #tpu.memory_space<hbm>>) target(%dma_start3A_75 : memref<512xi32, #tpu.memory_space<vmem>>) target_semaphore(%arg10 : memref<!tpu.dma_semaphore, #tpu.memory_space<semaphore_mem>>)
    %dma_start3A_80 = arith.constant 6 : i32
    %dma_start3A_81 = arith.constant 3072 : i32
    %dma_start3A_82 = tpu.memref_slice %arg6[%dma_start3A_81] : memref<13312xi32, #tpu.memory_space<vmem>> -> memref<512xi32, #tpu.memory_space<vmem>>
    %dma_start3A_83 = arith.constant 0 : i32
    %dma_start3A_84 = tpu.memref_slice %arg2[%dma_start3A_80, %dma_start3A_83] : memref<26x16384xi32, #tpu.memory_space<hbm>> -> memref<1x16384xi32, #tpu.memory_space<hbm>>
    %dma_start3A_85 = tpu.memref_squeeze %dma_start3A_84 : memref<1x16384xi32, #tpu.memory_space<hbm>> -> memref<16384xi32, #tpu.memory_space<hbm>>
    %dma_start3A_86 = tpu.memref_slice %dma_start3A_85[%mul3A_2] : memref<16384xi32, #tpu.memory_space<hbm>> -> memref<512xi32, #tpu.memory_space<hbm>>
    %dma_start3A_87 = arith.constant 3072 : i32
    %dma_start3A_88 = tpu.memref_slice %arg6[%dma_start3A_87] : memref<13312xi32, #tpu.memory_space<vmem>> -> memref<512xi32, #tpu.memory_space<vmem>>
    %dma_start3A_89 = arith.constant 0 : i32
    %dma_start3A_90 = tpu.memref_slice %arg2[%dma_start3A_80, %dma_start3A_89] : memref<26x16384xi32, #tpu.memory_space<hbm>> -> memref<1x16384xi32, #tpu.memory_space<hbm>>
    %dma_start3A_91 = tpu.memref_squeeze %dma_start3A_90 : memref<1x16384xi32, #tpu.memory_space<hbm>> -> memref<16384xi32, #tpu.memory_space<hbm>>
    %dma_start3A_92 = tpu.memref_slice %dma_start3A_91[%mul3A_2] : memref<16384xi32, #tpu.memory_space<hbm>> -> memref<512xi32, #tpu.memory_space<hbm>>
    tpu.enqueue_dma source(%dma_start3A_92 : memref<512xi32, #tpu.memory_space<hbm>>) target(%dma_start3A_88 : memref<512xi32, #tpu.memory_space<vmem>>) target_semaphore(%arg10 : memref<!tpu.dma_semaphore, #tpu.memory_space<semaphore_mem>>)
    %dma_start3A_93 = arith.constant 7 : i32
    %dma_start3A_94 = arith.constant 3584 : i32
    %dma_start3A_95 = tpu.memref_slice %arg6[%dma_start3A_94] : memref<13312xi32, #tpu.memory_space<vmem>> -> memref<512xi32, #tpu.memory_space<vmem>>
    %dma_start3A_96 = arith.constant 0 : i32
    %dma_start3A_97 = tpu.memref_slice %arg2[%dma_start3A_93, %dma_start3A_96] : memref<26x16384xi32, #tpu.memory_space<hbm>> -> memref<1x16384xi32, #tpu.memory_space<hbm>>
    %dma_start3A_98 = tpu.memref_squeeze %dma_start3A_97 : memref<1x16384xi32, #tpu.memory_space<hbm>> -> memref<16384xi32, #tpu.memory_space<hbm>>
    %dma_start3A_99 = tpu.memref_slice %dma_start3A_98[%mul3A_2] : memref<16384xi32, #tpu.memory_space<hbm>> -> memref<512xi32, #tpu.memory_space<hbm>>
    %dma_start3A_100 = arith.constant 3584 : i32
    %dma_start3A_101 = tpu.memref_slice %arg6[%dma_start3A_100] : memref<13312xi32, #tpu.memory_space<vmem>> -> memref<512xi32, #tpu.memory_space<vmem>>
    %dma_start3A_102 = arith.constant 0 : i32
    %dma_start3A_103 = tpu.memref_slice %arg2[%dma_start3A_93, %dma_start3A_102] : memref<26x16384xi32, #tpu.memory_space<hbm>> -> memref<1x16384xi32, #tpu.memory_space<hbm>>
    %dma_start3A_104 = tpu.memref_squeeze %dma_start3A_103 : memref<1x16384xi32, #tpu.memory_space<hbm>> -> memref<16384xi32, #tpu.memory_space<hbm>>
    %dma_start3A_105 = tpu.memref_slice %dma_start3A_104[%mul3A_2] : memref<16384xi32, #tpu.memory_space<hbm>> -> memref<512xi32, #tpu.memory_space<hbm>>
    tpu.enqueue_dma source(%dma_start3A_105 : memref<512xi32, #tpu.memory_space<hbm>>) target(%dma_start3A_101 : memref<512xi32, #tpu.memory_space<vmem>>) target_semaphore(%arg10 : memref<!tpu.dma_semaphore, #tpu.memory_space<semaphore_mem>>)
    %dma_start3A_106 = arith.constant 8 : i32
    %dma_start3A_107 = arith.constant 4096 : i32
    %dma_start3A_108 = tpu.memref_slice %arg6[%dma_start3A_107] : memref<13312xi32, #tpu.memory_space<vmem>> -> memref<512xi32, #tpu.memory_space<vmem>>
    %dma_start3A_109 = arith.constant 0 : i32
    %dma_start3A_110 = tpu.memref_slice %arg2[%dma_start3A_106, %dma_start3A_109] : memref<26x16384xi32, #tpu.memory_space<hbm>> -> memref<1x16384xi32, #tpu.memory_space<hbm>>
    %dma_start3A_111 = tpu.memref_squeeze %dma_start3A_110 : memref<1x16384xi32, #tpu.memory_space<hbm>> -> memref<16384xi32, #tpu.memory_space<hbm>>
    %dma_start3A_112 = tpu.memref_slice %dma_start3A_111[%mul3A_2] : memref<16384xi32, #tpu.memory_space<hbm>> -> memref<512xi32, #tpu.memory_space<hbm>>
    %dma_start3A_113 = arith.constant 4096 : i32
    %dma_start3A_114 = tpu.memref_slice %arg6[%dma_start3A_113] : memref<13312xi32, #tpu.memory_space<vmem>> -> memref<512xi32, #tpu.memory_space<vmem>>
    %dma_start3A_115 = arith.constant 0 : i32
    %dma_start3A_116 = tpu.memref_slice %arg2[%dma_start3A_106, %dma_start3A_115] : memref<26x16384xi32, #tpu.memory_space<hbm>> -> memref<1x16384xi32, #tpu.memory_space<hbm>>
    %dma_start3A_117 = tpu.memref_squeeze %dma_start3A_116 : memref<1x16384xi32, #tpu.memory_space<hbm>> -> memref<16384xi32, #tpu.memory_space<hbm>>
    %dma_start3A_118 = tpu.memref_slice %dma_start3A_117[%mul3A_2] : memref<16384xi32, #tpu.memory_space<hbm>> -> memref<512xi32, #tpu.memory_space<hbm>>
    tpu.enqueue_dma source(%dma_start3A_118 : memref<512xi32, #tpu.memory_space<hbm>>) target(%dma_start3A_114 : memref<512xi32, #tpu.memory_space<vmem>>) target_semaphore(%arg10 : memref<!tpu.dma_semaphore, #tpu.memory_space<semaphore_mem>>)
    %dma_start3A_119 = arith.constant 9 : i32
    %dma_start3A_120 = arith.constant 4608 : i32
    %dma_start3A_121 = tpu.memref_slice %arg6[%dma_start3A_120] : memref<13312xi32, #tpu.memory_space<vmem>> -> memref<512xi32, #tpu.memory_space<vmem>>
    %dma_start3A_122 = arith.constant 0 : i32
    %dma_start3A_123 = tpu.memref_slice %arg2[%dma_start3A_119, %dma_start3A_122] : memref<26x16384xi32, #tpu.memory_space<hbm>> -> memref<1x16384xi32, #tpu.memory_space<hbm>>
    %dma_start3A_124 = tpu.memref_squeeze %dma_start3A_123 : memref<1x16384xi32, #tpu.memory_space<hbm>> -> memref<16384xi32, #tpu.memory_space<hbm>>
    %dma_start3A_125 = tpu.memref_slice %dma_start3A_124[%mul3A_2] : memref<16384xi32, #tpu.memory_space<hbm>> -> memref<512xi32, #tpu.memory_space<hbm>>
    %dma_start3A_126 = arith.constant 4608 : i32
    %dma_start3A_127 = tpu.memref_slice %arg6[%dma_start3A_126] : memref<13312xi32, #tpu.memory_space<vmem>> -> memref<512xi32, #tpu.memory_space<vmem>>
    %dma_start3A_128 = arith.constant 0 : i32
    %dma_start3A_129 = tpu.memref_slice %arg2[%dma_start3A_119, %dma_start3A_128] : memref<26x16384xi32, #tpu.memory_space<hbm>> -> memref<1x16384xi32, #tpu.memory_space<hbm>>
    %dma_start3A_130 = tpu.memref_squeeze %dma_start3A_129 : memref<1x16384xi32, #tpu.memory_space<hbm>> -> memref<16384xi32, #tpu.memory_space<hbm>>
    %dma_start3A_131 = tpu.memref_slice %dma_start3A_130[%mul3A_2] : memref<16384xi32, #tpu.memory_space<hbm>> -> memref<512xi32, #tpu.memory_space<hbm>>
    tpu.enqueue_dma source(%dma_start3A_131 : memref<512xi32, #tpu.memory_space<hbm>>) target(%dma_start3A_127 : memref<512xi32, #tpu.memory_space<vmem>>) target_semaphore(%arg10 : memref<!tpu.dma_semaphore, #tpu.memory_space<semaphore_mem>>)
    %dma_start3A_132 = arith.constant 10 : i32
    %dma_start3A_133 = arith.constant 5120 : i32
    %dma_start3A_134 = tpu.memref_slice %arg6[%dma_start3A_133] : memref<13312xi32, #tpu.memory_space<vmem>> -> memref<512xi32, #tpu.memory_space<vmem>>
    %dma_start3A_135 = arith.constant 0 : i32
    %dma_start3A_136 = tpu.memref_slice %arg2[%dma_start3A_132, %dma_start3A_135] : memref<26x16384xi32, #tpu.memory_space<hbm>> -> memref<1x16384xi32, #tpu.memory_space<hbm>>
    %dma_start3A_137 = tpu.memref_squeeze %dma_start3A_136 : memref<1x16384xi32, #tpu.memory_space<hbm>> -> memref<16384xi32, #tpu.memory_space<hbm>>
    %dma_start3A_138 = tpu.memref_slice %dma_start3A_137[%mul3A_2] : memref<16384xi32, #tpu.memory_space<hbm>> -> memref<512xi32, #tpu.memory_space<hbm>>
    %dma_start3A_139 = arith.constant 5120 : i32
    %dma_start3A_140 = tpu.memref_slice %arg6[%dma_start3A_139] : memref<13312xi32, #tpu.memory_space<vmem>> -> memref<512xi32, #tpu.memory_space<vmem>>
    %dma_start3A_141 = arith.constant 0 : i32
    %dma_start3A_142 = tpu.memref_slice %arg2[%dma_start3A_132, %dma_start3A_141] : memref<26x16384xi32, #tpu.memory_space<hbm>> -> memref<1x16384xi32, #tpu.memory_space<hbm>>
    %dma_start3A_143 = tpu.memref_squeeze %dma_start3A_142 : memref<1x16384xi32, #tpu.memory_space<hbm>> -> memref<16384xi32, #tpu.memory_space<hbm>>
    %dma_start3A_144 = tpu.memref_slice %dma_start3A_143[%mul3A_2] : memref<16384xi32, #tpu.memory_space<hbm>> -> memref<512xi32, #tpu.memory_space<hbm>>
    tpu.enqueue_dma source(%dma_start3A_144 : memref<512xi32, #tpu.memory_space<hbm>>) target(%dma_start3A_140 : memref<512xi32, #tpu.memory_space<vmem>>) target_semaphore(%arg10 : memref<!tpu.dma_semaphore, #tpu.memory_space<semaphore_mem>>)
    %dma_start3A_145 = arith.constant 11 : i32
    %dma_start3A_146 = arith.constant 5632 : i32
    %dma_start3A_147 = tpu.memref_slice %arg6[%dma_start3A_146] : memref<13312xi32, #tpu.memory_space<vmem>> -> memref<512xi32, #tpu.memory_space<vmem>>
    %dma_start3A_148 = arith.constant 0 : i32
    %dma_start3A_149 = tpu.memref_slice %arg2[%dma_start3A_145, %dma_start3A_148] : memref<26x16384xi32, #tpu.memory_space<hbm>> -> memref<1x16384xi32, #tpu.memory_space<hbm>>
    %dma_start3A_150 = tpu.memref_squeeze %dma_start3A_149 : memref<1x16384xi32, #tpu.memory_space<hbm>> -> memref<16384xi32, #tpu.memory_space<hbm>>
    %dma_start3A_151 = tpu.memref_slice %dma_start3A_150[%mul3A_2] : memref<16384xi32, #tpu.memory_space<hbm>> -> memref<512xi32, #tpu.memory_space<hbm>>
    %dma_start3A_152 = arith.constant 5632 : i32
    %dma_start3A_153 = tpu.memref_slice %arg6[%dma_start3A_152] : memref<13312xi32, #tpu.memory_space<vmem>> -> memref<512xi32, #tpu.memory_space<vmem>>
    %dma_start3A_154 = arith.constant 0 : i32
    %dma_start3A_155 = tpu.memref_slice %arg2[%dma_start3A_145, %dma_start3A_154] : memref<26x16384xi32, #tpu.memory_space<hbm>> -> memref<1x16384xi32, #tpu.memory_space<hbm>>
    %dma_start3A_156 = tpu.memref_squeeze %dma_start3A_155 : memref<1x16384xi32, #tpu.memory_space<hbm>> -> memref<16384xi32, #tpu.memory_space<hbm>>
    %dma_start3A_157 = tpu.memref_slice %dma_start3A_156[%mul3A_2] : memref<16384xi32, #tpu.memory_space<hbm>> -> memref<512xi32, #tpu.memory_space<hbm>>
    tpu.enqueue_dma source(%dma_start3A_157 : memref<512xi32, #tpu.memory_space<hbm>>) target(%dma_start3A_153 : memref<512xi32, #tpu.memory_space<vmem>>) target_semaphore(%arg10 : memref<!tpu.dma_semaphore, #tpu.memory_space<semaphore_mem>>)
    %dma_start3A_158 = arith.constant 12 : i32
    %dma_start3A_159 = arith.constant 6144 : i32
    %dma_start3A_160 = tpu.memref_slice %arg6[%dma_start3A_159] : memref<13312xi32, #tpu.memory_space<vmem>> -> memref<512xi32, #tpu.memory_space<vmem>>
    %dma_start3A_161 = arith.constant 0 : i32
    %dma_start3A_162 = tpu.memref_slice %arg2[%dma_start3A_158, %dma_start3A_161] : memref<26x16384xi32, #tpu.memory_space<hbm>> -> memref<1x16384xi32, #tpu.memory_space<hbm>>
    %dma_start3A_163 = tpu.memref_squeeze %dma_start3A_162 : memref<1x16384xi32, #tpu.memory_space<hbm>> -> memref<16384xi32, #tpu.memory_space<hbm>>
    %dma_start3A_164 = tpu.memref_slice %dma_start3A_163[%mul3A_2] : memref<16384xi32, #tpu.memory_space<hbm>> -> memref<512xi32, #tpu.memory_space<hbm>>
    %dma_start3A_165 = arith.constant 6144 : i32
    %dma_start3A_166 = tpu.memref_slice %arg6[%dma_start3A_165] : memref<13312xi32, #tpu.memory_space<vmem>> -> memref<512xi32, #tpu.memory_space<vmem>>
    %dma_start3A_167 = arith.constant 0 : i32
    %dma_start3A_168 = tpu.memref_slice %arg2[%dma_start3A_158, %dma_start3A_167] : memref<26x16384xi32, #tpu.memory_space<hbm>> -> memref<1x16384xi32, #tpu.memory_space<hbm>>
    %dma_start3A_169 = tpu.memref_squeeze %dma_start3A_168 : memref<1x16384xi32, #tpu.memory_space<hbm>> -> memref<16384xi32, #tpu.memory_space<hbm>>
    %dma_start3A_170 = tpu.memref_slice %dma_start3A_169[%mul3A_2] : memref<16384xi32, #tpu.memory_space<hbm>> -> memref<512xi32, #tpu.memory_space<hbm>>
    tpu.enqueue_dma source(%dma_start3A_170 : memref<512xi32, #tpu.memory_space<hbm>>) target(%dma_start3A_166 : memref<512xi32, #tpu.memory_space<vmem>>) target_semaphore(%arg10 : memref<!tpu.dma_semaphore, #tpu.memory_space<semaphore_mem>>)
    %dma_start3A_171 = arith.constant 13 : i32
    %dma_start3A_172 = arith.constant 6656 : i32
    %dma_start3A_173 = tpu.memref_slice %arg6[%dma_start3A_172] : memref<13312xi32, #tpu.memory_space<vmem>> -> memref<512xi32, #tpu.memory_space<vmem>>
    %dma_start3A_174 = arith.constant 0 : i32
    %dma_start3A_175 = tpu.memref_slice %arg2[%dma_start3A_171, %dma_start3A_174] : memref<26x16384xi32, #tpu.memory_space<hbm>> -> memref<1x16384xi32, #tpu.memory_space<hbm>>
    %dma_start3A_176 = tpu.memref_squeeze %dma_start3A_175 : memref<1x16384xi32, #tpu.memory_space<hbm>> -> memref<16384xi32, #tpu.memory_space<hbm>>
    %dma_start3A_177 = tpu.memref_slice %dma_start3A_176[%mul3A_2] : memref<16384xi32, #tpu.memory_space<hbm>> -> memref<512xi32, #tpu.memory_space<hbm>>
    %dma_start3A_178 = arith.constant 6656 : i32
    %dma_start3A_179 = tpu.memref_slice %arg6[%dma_start3A_178] : memref<13312xi32, #tpu.memory_space<vmem>> -> memref<512xi32, #tpu.memory_space<vmem>>
    %dma_start3A_180 = arith.constant 0 : i32
    %dma_start3A_181 = tpu.memref_slice %arg2[%dma_start3A_171, %dma_start3A_180] : memref<26x16384xi32, #tpu.memory_space<hbm>> -> memref<1x16384xi32, #tpu.memory_space<hbm>>
    %dma_start3A_182 = tpu.memref_squeeze %dma_start3A_181 : memref<1x16384xi32, #tpu.memory_space<hbm>> -> memref<16384xi32, #tpu.memory_space<hbm>>
    %dma_start3A_183 = tpu.memref_slice %dma_start3A_182[%mul3A_2] : memref<16384xi32, #tpu.memory_space<hbm>> -> memref<512xi32, #tpu.memory_space<hbm>>
    tpu.enqueue_dma source(%dma_start3A_183 : memref<512xi32, #tpu.memory_space<hbm>>) target(%dma_start3A_179 : memref<512xi32, #tpu.memory_space<vmem>>) target_semaphore(%arg11 : memref<!tpu.dma_semaphore, #tpu.memory_space<semaphore_mem>>)
    %dma_start3A_184 = arith.constant 14 : i32
    %dma_start3A_185 = arith.constant 7168 : i32
    %dma_start3A_186 = tpu.memref_slice %arg6[%dma_start3A_185] : memref<13312xi32, #tpu.memory_space<vmem>> -> memref<512xi32, #tpu.memory_space<vmem>>
    %dma_start3A_187 = arith.constant 0 : i32
    %dma_start3A_188 = tpu.memref_slice %arg2[%dma_start3A_184, %dma_start3A_187] : memref<26x16384xi32, #tpu.memory_space<hbm>> -> memref<1x16384xi32, #tpu.memory_space<hbm>>
    %dma_start3A_189 = tpu.memref_squeeze %dma_start3A_188 : memref<1x16384xi32, #tpu.memory_space<hbm>> -> memref<16384xi32, #tpu.memory_space<hbm>>
    %dma_start3A_190 = tpu.memref_slice %dma_start3A_189[%mul3A_2] : memref<16384xi32, #tpu.memory_space<hbm>> -> memref<512xi32, #tpu.memory_space<hbm>>
    %dma_start3A_191 = arith.constant 7168 : i32
    %dma_start3A_192 = tpu.memref_slice %arg6[%dma_start3A_191] : memref<13312xi32, #tpu.memory_space<vmem>> -> memref<512xi32, #tpu.memory_space<vmem>>
    %dma_start3A_193 = arith.constant 0 : i32
    %dma_start3A_194 = tpu.memref_slice %arg2[%dma_start3A_184, %dma_start3A_193] : memref<26x16384xi32, #tpu.memory_space<hbm>> -> memref<1x16384xi32, #tpu.memory_space<hbm>>
    %dma_start3A_195 = tpu.memref_squeeze %dma_start3A_194 : memref<1x16384xi32, #tpu.memory_space<hbm>> -> memref<16384xi32, #tpu.memory_space<hbm>>
    %dma_start3A_196 = tpu.memref_slice %dma_start3A_195[%mul3A_2] : memref<16384xi32, #tpu.memory_space<hbm>> -> memref<512xi32, #tpu.memory_space<hbm>>
    tpu.enqueue_dma source(%dma_start3A_196 : memref<512xi32, #tpu.memory_space<hbm>>) target(%dma_start3A_192 : memref<512xi32, #tpu.memory_space<vmem>>) target_semaphore(%arg11 : memref<!tpu.dma_semaphore, #tpu.memory_space<semaphore_mem>>)
    %dma_start3A_197 = arith.constant 15 : i32
    %dma_start3A_198 = arith.constant 7680 : i32
    %dma_start3A_199 = tpu.memref_slice %arg6[%dma_start3A_198] : memref<13312xi32, #tpu.memory_space<vmem>> -> memref<512xi32, #tpu.memory_space<vmem>>
    %dma_start3A_200 = arith.constant 0 : i32
    %dma_start3A_201 = tpu.memref_slice %arg2[%dma_start3A_197, %dma_start3A_200] : memref<26x16384xi32, #tpu.memory_space<hbm>> -> memref<1x16384xi32, #tpu.memory_space<hbm>>
    %dma_start3A_202 = tpu.memref_squeeze %dma_start3A_201 : memref<1x16384xi32, #tpu.memory_space<hbm>> -> memref<16384xi32, #tpu.memory_space<hbm>>
    %dma_start3A_203 = tpu.memref_slice %dma_start3A_202[%mul3A_2] : memref<16384xi32, #tpu.memory_space<hbm>> -> memref<512xi32, #tpu.memory_space<hbm>>
    %dma_start3A_204 = arith.constant 7680 : i32
    %dma_start3A_205 = tpu.memref_slice %arg6[%dma_start3A_204] : memref<13312xi32, #tpu.memory_space<vmem>> -> memref<512xi32, #tpu.memory_space<vmem>>
    %dma_start3A_206 = arith.constant 0 : i32
    %dma_start3A_207 = tpu.memref_slice %arg2[%dma_start3A_197, %dma_start3A_206] : memref<26x16384xi32, #tpu.memory_space<hbm>> -> memref<1x16384xi32, #tpu.memory_space<hbm>>
    %dma_start3A_208 = tpu.memref_squeeze %dma_start3A_207 : memref<1x16384xi32, #tpu.memory_space<hbm>> -> memref<16384xi32, #tpu.memory_space<hbm>>
    %dma_start3A_209 = tpu.memref_slice %dma_start3A_208[%mul3A_2] : memref<16384xi32, #tpu.memory_space<hbm>> -> memref<512xi32, #tpu.memory_space<hbm>>
    tpu.enqueue_dma source(%dma_start3A_209 : memref<512xi32, #tpu.memory_space<hbm>>) target(%dma_start3A_205 : memref<512xi32, #tpu.memory_space<vmem>>) target_semaphore(%arg11 : memref<!tpu.dma_semaphore, #tpu.memory_space<semaphore_mem>>)
    %dma_start3A_210 = arith.constant 16 : i32
    %dma_start3A_211 = arith.constant 8192 : i32
    %dma_start3A_212 = tpu.memref_slice %arg6[%dma_start3A_211] : memref<13312xi32, #tpu.memory_space<vmem>> -> memref<512xi32, #tpu.memory_space<vmem>>
    %dma_start3A_213 = arith.constant 0 : i32
    %dma_start3A_214 = tpu.memref_slice %arg2[%dma_start3A_210, %dma_start3A_213] : memref<26x16384xi32, #tpu.memory_space<hbm>> -> memref<1x16384xi32, #tpu.memory_space<hbm>>
    %dma_start3A_215 = tpu.memref_squeeze %dma_start3A_214 : memref<1x16384xi32, #tpu.memory_space<hbm>> -> memref<16384xi32, #tpu.memory_space<hbm>>
    %dma_start3A_216 = tpu.memref_slice %dma_start3A_215[%mul3A_2] : memref<16384xi32, #tpu.memory_space<hbm>> -> memref<512xi32, #tpu.memory_space<hbm>>
    %dma_start3A_217 = arith.constant 8192 : i32
    %dma_start3A_218 = tpu.memref_slice %arg6[%dma_start3A_217] : memref<13312xi32, #tpu.memory_space<vmem>> -> memref<512xi32, #tpu.memory_space<vmem>>
    %dma_start3A_219 = arith.constant 0 : i32
    %dma_start3A_220 = tpu.memref_slice %arg2[%dma_start3A_210, %dma_start3A_219] : memref<26x16384xi32, #tpu.memory_space<hbm>> -> memref<1x16384xi32, #tpu.memory_space<hbm>>
    %dma_start3A_221 = tpu.memref_squeeze %dma_start3A_220 : memref<1x16384xi32, #tpu.memory_space<hbm>> -> memref<16384xi32, #tpu.memory_space<hbm>>
    %dma_start3A_222 = tpu.memref_slice %dma_start3A_221[%mul3A_2] : memref<16384xi32, #tpu.memory_space<hbm>> -> memref<512xi32, #tpu.memory_space<hbm>>
    tpu.enqueue_dma source(%dma_start3A_222 : memref<512xi32, #tpu.memory_space<hbm>>) target(%dma_start3A_218 : memref<512xi32, #tpu.memory_space<vmem>>) target_semaphore(%arg11 : memref<!tpu.dma_semaphore, #tpu.memory_space<semaphore_mem>>)
    %dma_start3A_223 = arith.constant 17 : i32
    %dma_start3A_224 = arith.constant 8704 : i32
    %dma_start3A_225 = tpu.memref_slice %arg6[%dma_start3A_224] : memref<13312xi32, #tpu.memory_space<vmem>> -> memref<512xi32, #tpu.memory_space<vmem>>
    %dma_start3A_226 = arith.constant 0 : i32
    %dma_start3A_227 = tpu.memref_slice %arg2[%dma_start3A_223, %dma_start3A_226] : memref<26x16384xi32, #tpu.memory_space<hbm>> -> memref<1x16384xi32, #tpu.memory_space<hbm>>
    %dma_start3A_228 = tpu.memref_squeeze %dma_start3A_227 : memref<1x16384xi32, #tpu.memory_space<hbm>> -> memref<16384xi32, #tpu.memory_space<hbm>>
    %dma_start3A_229 = tpu.memref_slice %dma_start3A_228[%mul3A_2] : memref<16384xi32, #tpu.memory_space<hbm>> -> memref<512xi32, #tpu.memory_space<hbm>>
    %dma_start3A_230 = arith.constant 8704 : i32
    %dma_start3A_231 = tpu.memref_slice %arg6[%dma_start3A_230] : memref<13312xi32, #tpu.memory_space<vmem>> -> memref<512xi32, #tpu.memory_space<vmem>>
    %dma_start3A_232 = arith.constant 0 : i32
    %dma_start3A_233 = tpu.memref_slice %arg2[%dma_start3A_223, %dma_start3A_232] : memref<26x16384xi32, #tpu.memory_space<hbm>> -> memref<1x16384xi32, #tpu.memory_space<hbm>>
    %dma_start3A_234 = tpu.memref_squeeze %dma_start3A_233 : memref<1x16384xi32, #tpu.memory_space<hbm>> -> memref<16384xi32, #tpu.memory_space<hbm>>
    %dma_start3A_235 = tpu.memref_slice %dma_start3A_234[%mul3A_2] : memref<16384xi32, #tpu.memory_space<hbm>> -> memref<512xi32, #tpu.memory_space<hbm>>
    tpu.enqueue_dma source(%dma_start3A_235 : memref<512xi32, #tpu.memory_space<hbm>>) target(%dma_start3A_231 : memref<512xi32, #tpu.memory_space<vmem>>) target_semaphore(%arg11 : memref<!tpu.dma_semaphore, #tpu.memory_space<semaphore_mem>>)
    %dma_start3A_236 = arith.constant 18 : i32
    %dma_start3A_237 = arith.constant 9216 : i32
    %dma_start3A_238 = tpu.memref_slice %arg6[%dma_start3A_237] : memref<13312xi32, #tpu.memory_space<vmem>> -> memref<512xi32, #tpu.memory_space<vmem>>
    %dma_start3A_239 = arith.constant 0 : i32
    %dma_start3A_240 = tpu.memref_slice %arg2[%dma_start3A_236, %dma_start3A_239] : memref<26x16384xi32, #tpu.memory_space<hbm>> -> memref<1x16384xi32, #tpu.memory_space<hbm>>
    %dma_start3A_241 = tpu.memref_squeeze %dma_start3A_240 : memref<1x16384xi32, #tpu.memory_space<hbm>> -> memref<16384xi32, #tpu.memory_space<hbm>>
    %dma_start3A_242 = tpu.memref_slice %dma_start3A_241[%mul3A_2] : memref<16384xi32, #tpu.memory_space<hbm>> -> memref<512xi32, #tpu.memory_space<hbm>>
    %dma_start3A_243 = arith.constant 9216 : i32
    %dma_start3A_244 = tpu.memref_slice %arg6[%dma_start3A_243] : memref<13312xi32, #tpu.memory_space<vmem>> -> memref<512xi32, #tpu.memory_space<vmem>>
    %dma_start3A_245 = arith.constant 0 : i32
    %dma_start3A_246 = tpu.memref_slice %arg2[%dma_start3A_236, %dma_start3A_245] : memref<26x16384xi32, #tpu.memory_space<hbm>> -> memref<1x16384xi32, #tpu.memory_space<hbm>>
    %dma_start3A_247 = tpu.memref_squeeze %dma_start3A_246 : memref<1x16384xi32, #tpu.memory_space<hbm>> -> memref<16384xi32, #tpu.memory_space<hbm>>
    %dma_start3A_248 = tpu.memref_slice %dma_start3A_247[%mul3A_2] : memref<16384xi32, #tpu.memory_space<hbm>> -> memref<512xi32, #tpu.memory_space<hbm>>
    tpu.enqueue_dma source(%dma_start3A_248 : memref<512xi32, #tpu.memory_space<hbm>>) target(%dma_start3A_244 : memref<512xi32, #tpu.memory_space<vmem>>) target_semaphore(%arg11 : memref<!tpu.dma_semaphore, #tpu.memory_space<semaphore_mem>>)
    %dma_start3A_249 = arith.constant 19 : i32
    %dma_start3A_250 = arith.constant 9728 : i32
    %dma_start3A_251 = tpu.memref_slice %arg6[%dma_start3A_250] : memref<13312xi32, #tpu.memory_space<vmem>> -> memref<512xi32, #tpu.memory_space<vmem>>
    %dma_start3A_252 = arith.constant 0 : i32
    %dma_start3A_253 = tpu.memref_slice %arg2[%dma_start3A_249, %dma_start3A_252] : memref<26x16384xi32, #tpu.memory_space<hbm>> -> memref<1x16384xi32, #tpu.memory_space<hbm>>
    %dma_start3A_254 = tpu.memref_squeeze %dma_start3A_253 : memref<1x16384xi32, #tpu.memory_space<hbm>> -> memref<16384xi32, #tpu.memory_space<hbm>>
    %dma_start3A_255 = tpu.memref_slice %dma_start3A_254[%mul3A_2] : memref<16384xi32, #tpu.memory_space<hbm>> -> memref<512xi32, #tpu.memory_space<hbm>>
    %dma_start3A_256 = arith.constant 9728 : i32
    %dma_start3A_257 = tpu.memref_slice %arg6[%dma_start3A_256] : memref<13312xi32, #tpu.memory_space<vmem>> -> memref<512xi32, #tpu.memory_space<vmem>>
    %dma_start3A_258 = arith.constant 0 : i32
    %dma_start3A_259 = tpu.memref_slice %arg2[%dma_start3A_249, %dma_start3A_258] : memref<26x16384xi32, #tpu.memory_space<hbm>> -> memref<1x16384xi32, #tpu.memory_space<hbm>>
    %dma_start3A_260 = tpu.memref_squeeze %dma_start3A_259 : memref<1x16384xi32, #tpu.memory_space<hbm>> -> memref<16384xi32, #tpu.memory_space<hbm>>
    %dma_start3A_261 = tpu.memref_slice %dma_start3A_260[%mul3A_2] : memref<16384xi32, #tpu.memory_space<hbm>> -> memref<512xi32, #tpu.memory_space<hbm>>
    tpu.enqueue_dma source(%dma_start3A_261 : memref<512xi32, #tpu.memory_space<hbm>>) target(%dma_start3A_257 : memref<512xi32, #tpu.memory_space<vmem>>) target_semaphore(%arg11 : memref<!tpu.dma_semaphore, #tpu.memory_space<semaphore_mem>>)
    %dma_start3A_262 = arith.constant 20 : i32
    %dma_start3A_263 = arith.constant 10240 : i32
    %dma_start3A_264 = tpu.memref_slice %arg6[%dma_start3A_263] : memref<13312xi32, #tpu.memory_space<vmem>> -> memref<512xi32, #tpu.memory_space<vmem>>
    %dma_start3A_265 = arith.constant 0 : i32
    %dma_start3A_266 = tpu.memref_slice %arg2[%dma_start3A_262, %dma_start3A_265] : memref<26x16384xi32, #tpu.memory_space<hbm>> -> memref<1x16384xi32, #tpu.memory_space<hbm>>
    %dma_start3A_267 = tpu.memref_squeeze %dma_start3A_266 : memref<1x16384xi32, #tpu.memory_space<hbm>> -> memref<16384xi32, #tpu.memory_space<hbm>>
    %dma_start3A_268 = tpu.memref_slice %dma_start3A_267[%mul3A_2] : memref<16384xi32, #tpu.memory_space<hbm>> -> memref<512xi32, #tpu.memory_space<hbm>>
    %dma_start3A_269 = arith.constant 10240 : i32
    %dma_start3A_270 = tpu.memref_slice %arg6[%dma_start3A_269] : memref<13312xi32, #tpu.memory_space<vmem>> -> memref<512xi32, #tpu.memory_space<vmem>>
    %dma_start3A_271 = arith.constant 0 : i32
    %dma_start3A_272 = tpu.memref_slice %arg2[%dma_start3A_262, %dma_start3A_271] : memref<26x16384xi32, #tpu.memory_space<hbm>> -> memref<1x16384xi32, #tpu.memory_space<hbm>>
    %dma_start3A_273 = tpu.memref_squeeze %dma_start3A_272 : memref<1x16384xi32, #tpu.memory_space<hbm>> -> memref<16384xi32, #tpu.memory_space<hbm>>
    %dma_start3A_274 = tpu.memref_slice %dma_start3A_273[%mul3A_2] : memref<16384xi32, #tpu.memory_space<hbm>> -> memref<512xi32, #tpu.memory_space<hbm>>
    tpu.enqueue_dma source(%dma_start3A_274 : memref<512xi32, #tpu.memory_space<hbm>>) target(%dma_start3A_270 : memref<512xi32, #tpu.memory_space<vmem>>) target_semaphore(%arg11 : memref<!tpu.dma_semaphore, #tpu.memory_space<semaphore_mem>>)
    %dma_start3A_275 = arith.constant 21 : i32
    %dma_start3A_276 = arith.constant 10752 : i32
    %dma_start3A_277 = tpu.memref_slice %arg6[%dma_start3A_276] : memref<13312xi32, #tpu.memory_space<vmem>> -> memref<512xi32, #tpu.memory_space<vmem>>
    %dma_start3A_278 = arith.constant 0 : i32
    %dma_start3A_279 = tpu.memref_slice %arg2[%dma_start3A_275, %dma_start3A_278] : memref<26x16384xi32, #tpu.memory_space<hbm>> -> memref<1x16384xi32, #tpu.memory_space<hbm>>
    %dma_start3A_280 = tpu.memref_squeeze %dma_start3A_279 : memref<1x16384xi32, #tpu.memory_space<hbm>> -> memref<16384xi32, #tpu.memory_space<hbm>>
    %dma_start3A_281 = tpu.memref_slice %dma_start3A_280[%mul3A_2] : memref<16384xi32, #tpu.memory_space<hbm>> -> memref<512xi32, #tpu.memory_space<hbm>>
    %dma_start3A_282 = arith.constant 10752 : i32
    %dma_start3A_283 = tpu.memref_slice %arg6[%dma_start3A_282] : memref<13312xi32, #tpu.memory_space<vmem>> -> memref<512xi32, #tpu.memory_space<vmem>>
    %dma_start3A_284 = arith.constant 0 : i32
    %dma_start3A_285 = tpu.memref_slice %arg2[%dma_start3A_275, %dma_start3A_284] : memref<26x16384xi32, #tpu.memory_space<hbm>> -> memref<1x16384xi32, #tpu.memory_space<hbm>>
    %dma_start3A_286 = tpu.memref_squeeze %dma_start3A_285 : memref<1x16384xi32, #tpu.memory_space<hbm>> -> memref<16384xi32, #tpu.memory_space<hbm>>
    %dma_start3A_287 = tpu.memref_slice %dma_start3A_286[%mul3A_2] : memref<16384xi32, #tpu.memory_space<hbm>> -> memref<512xi32, #tpu.memory_space<hbm>>
    tpu.enqueue_dma source(%dma_start3A_287 : memref<512xi32, #tpu.memory_space<hbm>>) target(%dma_start3A_283 : memref<512xi32, #tpu.memory_space<vmem>>) target_semaphore(%arg11 : memref<!tpu.dma_semaphore, #tpu.memory_space<semaphore_mem>>)
    %dma_start3A_288 = arith.constant 22 : i32
    %dma_start3A_289 = arith.constant 11264 : i32
    %dma_start3A_290 = tpu.memref_slice %arg6[%dma_start3A_289] : memref<13312xi32, #tpu.memory_space<vmem>> -> memref<512xi32, #tpu.memory_space<vmem>>
    %dma_start3A_291 = arith.constant 0 : i32
    %dma_start3A_292 = tpu.memref_slice %arg2[%dma_start3A_288, %dma_start3A_291] : memref<26x16384xi32, #tpu.memory_space<hbm>> -> memref<1x16384xi32, #tpu.memory_space<hbm>>
    %dma_start3A_293 = tpu.memref_squeeze %dma_start3A_292 : memref<1x16384xi32, #tpu.memory_space<hbm>> -> memref<16384xi32, #tpu.memory_space<hbm>>
    %dma_start3A_294 = tpu.memref_slice %dma_start3A_293[%mul3A_2] : memref<16384xi32, #tpu.memory_space<hbm>> -> memref<512xi32, #tpu.memory_space<hbm>>
    %dma_start3A_295 = arith.constant 11264 : i32
    %dma_start3A_296 = tpu.memref_slice %arg6[%dma_start3A_295] : memref<13312xi32, #tpu.memory_space<vmem>> -> memref<512xi32, #tpu.memory_space<vmem>>
    %dma_start3A_297 = arith.constant 0 : i32
    %dma_start3A_298 = tpu.memref_slice %arg2[%dma_start3A_288, %dma_start3A_297] : memref<26x16384xi32, #tpu.memory_space<hbm>> -> memref<1x16384xi32, #tpu.memory_space<hbm>>
    %dma_start3A_299 = tpu.memref_squeeze %dma_start3A_298 : memref<1x16384xi32, #tpu.memory_space<hbm>> -> memref<16384xi32, #tpu.memory_space<hbm>>
    %dma_start3A_300 = tpu.memref_slice %dma_start3A_299[%mul3A_2] : memref<16384xi32, #tpu.memory_space<hbm>> -> memref<512xi32, #tpu.memory_space<hbm>>
    tpu.enqueue_dma source(%dma_start3A_300 : memref<512xi32, #tpu.memory_space<hbm>>) target(%dma_start3A_296 : memref<512xi32, #tpu.memory_space<vmem>>) target_semaphore(%arg11 : memref<!tpu.dma_semaphore, #tpu.memory_space<semaphore_mem>>)
    %dma_start3A_301 = arith.constant 23 : i32
    %dma_start3A_302 = arith.constant 11776 : i32
    %dma_start3A_303 = tpu.memref_slice %arg6[%dma_start3A_302] : memref<13312xi32, #tpu.memory_space<vmem>> -> memref<512xi32, #tpu.memory_space<vmem>>
    %dma_start3A_304 = arith.constant 0 : i32
    %dma_start3A_305 = tpu.memref_slice %arg2[%dma_start3A_301, %dma_start3A_304] : memref<26x16384xi32, #tpu.memory_space<hbm>> -> memref<1x16384xi32, #tpu.memory_space<hbm>>
    %dma_start3A_306 = tpu.memref_squeeze %dma_start3A_305 : memref<1x16384xi32, #tpu.memory_space<hbm>> -> memref<16384xi32, #tpu.memory_space<hbm>>
    %dma_start3A_307 = tpu.memref_slice %dma_start3A_306[%mul3A_2] : memref<16384xi32, #tpu.memory_space<hbm>> -> memref<512xi32, #tpu.memory_space<hbm>>
    %dma_start3A_308 = arith.constant 11776 : i32
    %dma_start3A_309 = tpu.memref_slice %arg6[%dma_start3A_308] : memref<13312xi32, #tpu.memory_space<vmem>> -> memref<512xi32, #tpu.memory_space<vmem>>
    %dma_start3A_310 = arith.constant 0 : i32
    %dma_start3A_311 = tpu.memref_slice %arg2[%dma_start3A_301, %dma_start3A_310] : memref<26x16384xi32, #tpu.memory_space<hbm>> -> memref<1x16384xi32, #tpu.memory_space<hbm>>
    %dma_start3A_312 = tpu.memref_squeeze %dma_start3A_311 : memref<1x16384xi32, #tpu.memory_space<hbm>> -> memref<16384xi32, #tpu.memory_space<hbm>>
    %dma_start3A_313 = tpu.memref_slice %dma_start3A_312[%mul3A_2] : memref<16384xi32, #tpu.memory_space<hbm>> -> memref<512xi32, #tpu.memory_space<hbm>>
    tpu.enqueue_dma source(%dma_start3A_313 : memref<512xi32, #tpu.memory_space<hbm>>) target(%dma_start3A_309 : memref<512xi32, #tpu.memory_space<vmem>>) target_semaphore(%arg11 : memref<!tpu.dma_semaphore, #tpu.memory_space<semaphore_mem>>)
    %dma_start3A_314 = arith.constant 24 : i32
    %dma_start3A_315 = arith.constant 12288 : i32
    %dma_start3A_316 = tpu.memref_slice %arg6[%dma_start3A_315] : memref<13312xi32, #tpu.memory_space<vmem>> -> memref<512xi32, #tpu.memory_space<vmem>>
    %dma_start3A_317 = arith.constant 0 : i32
    %dma_start3A_318 = tpu.memref_slice %arg2[%dma_start3A_314, %dma_start3A_317] : memref<26x16384xi32, #tpu.memory_space<hbm>> -> memref<1x16384xi32, #tpu.memory_space<hbm>>
    %dma_start3A_319 = tpu.memref_squeeze %dma_start3A_318 : memref<1x16384xi32, #tpu.memory_space<hbm>> -> memref<16384xi32, #tpu.memory_space<hbm>>
    %dma_start3A_320 = tpu.memref_slice %dma_start3A_319[%mul3A_2] : memref<16384xi32, #tpu.memory_space<hbm>> -> memref<512xi32, #tpu.memory_space<hbm>>
    %dma_start3A_321 = arith.constant 12288 : i32
    %dma_start3A_322 = tpu.memref_slice %arg6[%dma_start3A_321] : memref<13312xi32, #tpu.memory_space<vmem>> -> memref<512xi32, #tpu.memory_space<vmem>>
    %dma_start3A_323 = arith.constant 0 : i32
    %dma_start3A_324 = tpu.memref_slice %arg2[%dma_start3A_314, %dma_start3A_323] : memref<26x16384xi32, #tpu.memory_space<hbm>> -> memref<1x16384xi32, #tpu.memory_space<hbm>>
    %dma_start3A_325 = tpu.memref_squeeze %dma_start3A_324 : memref<1x16384xi32, #tpu.memory_space<hbm>> -> memref<16384xi32, #tpu.memory_space<hbm>>
    %dma_start3A_326 = tpu.memref_slice %dma_start3A_325[%mul3A_2] : memref<16384xi32, #tpu.memory_space<hbm>> -> memref<512xi32, #tpu.memory_space<hbm>>
    tpu.enqueue_dma source(%dma_start3A_326 : memref<512xi32, #tpu.memory_space<hbm>>) target(%dma_start3A_322 : memref<512xi32, #tpu.memory_space<vmem>>) target_semaphore(%arg11 : memref<!tpu.dma_semaphore, #tpu.memory_space<semaphore_mem>>)
    %dma_start3A_327 = arith.constant 25 : i32
    %dma_start3A_328 = arith.constant 12800 : i32
    %dma_start3A_329 = tpu.memref_slice %arg6[%dma_start3A_328] : memref<13312xi32, #tpu.memory_space<vmem>> -> memref<512xi32, #tpu.memory_space<vmem>>
    %dma_start3A_330 = arith.constant 0 : i32
    %dma_start3A_331 = tpu.memref_slice %arg2[%dma_start3A_327, %dma_start3A_330] : memref<26x16384xi32, #tpu.memory_space<hbm>> -> memref<1x16384xi32, #tpu.memory_space<hbm>>
    %dma_start3A_332 = tpu.memref_squeeze %dma_start3A_331 : memref<1x16384xi32, #tpu.memory_space<hbm>> -> memref<16384xi32, #tpu.memory_space<hbm>>
    %dma_start3A_333 = tpu.memref_slice %dma_start3A_332[%mul3A_2] : memref<16384xi32, #tpu.memory_space<hbm>> -> memref<512xi32, #tpu.memory_space<hbm>>
    %dma_start3A_334 = arith.constant 12800 : i32
    %dma_start3A_335 = tpu.memref_slice %arg6[%dma_start3A_334] : memref<13312xi32, #tpu.memory_space<vmem>> -> memref<512xi32, #tpu.memory_space<vmem>>
    %dma_start3A_336 = arith.constant 0 : i32
    %dma_start3A_337 = tpu.memref_slice %arg2[%dma_start3A_327, %dma_start3A_336] : memref<26x16384xi32, #tpu.memory_space<hbm>> -> memref<1x16384xi32, #tpu.memory_space<hbm>>
    %dma_start3A_338 = tpu.memref_squeeze %dma_start3A_337 : memref<1x16384xi32, #tpu.memory_space<hbm>> -> memref<16384xi32, #tpu.memory_space<hbm>>
    %dma_start3A_339 = tpu.memref_slice %dma_start3A_338[%mul3A_2] : memref<16384xi32, #tpu.memory_space<hbm>> -> memref<512xi32, #tpu.memory_space<hbm>>
    tpu.enqueue_dma source(%dma_start3A_339 : memref<512xi32, #tpu.memory_space<hbm>>) target(%dma_start3A_335 : memref<512xi32, #tpu.memory_space<vmem>>) target_semaphore(%arg11 : memref<!tpu.dma_semaphore, #tpu.memory_space<semaphore_mem>>)
    "tpu.region"() ({
      %run_scoped3A = tpu.sem_alloc : memref<!tpu.dma_semaphore, #tpu.memory_space<semaphore_mem>>
      tpu.enqueue_dma source(%arg4 : memref<16xf32, #tpu.memory_space<hbm>>) target(%arg8 : memref<16xf32, #tpu.memory_space<vmem>>) target_semaphore(%run_scoped3A : memref<!tpu.dma_semaphore, #tpu.memory_space<semaphore_mem>>)
      tpu.wait_dma2 semaphore(%run_scoped3A : memref<!tpu.dma_semaphore, #tpu.memory_space<semaphore_mem>>) src(%arg4 : memref<16xf32, #tpu.memory_space<hbm>>) dst(%arg8 : memref<16xf32, #tpu.memory_space<vmem>>)
      tpu.yield
    }) : () -> ()
    %dma_wait3A = arith.constant 0 : i32
    %dma_wait3A_340 = arith.constant 0 : i32
    %dma_wait3A_341 = tpu.memref_slice %arg6[%dma_wait3A_340] : memref<13312xi32, #tpu.memory_space<vmem>> -> memref<512xi32, #tpu.memory_space<vmem>>
    %dma_wait3A_342 = arith.constant 0 : i32
    %dma_wait3A_343 = tpu.memref_slice %arg2[%dma_wait3A, %dma_wait3A_342] : memref<26x16384xi32, #tpu.memory_space<hbm>> -> memref<1x16384xi32, #tpu.memory_space<hbm>>
    %dma_wait3A_344 = tpu.memref_squeeze %dma_wait3A_343 : memref<1x16384xi32, #tpu.memory_space<hbm>> -> memref<16384xi32, #tpu.memory_space<hbm>>
    %dma_wait3A_345 = tpu.memref_slice %dma_wait3A_344[%mul3A_2] : memref<16384xi32, #tpu.memory_space<hbm>> -> memref<512xi32, #tpu.memory_space<hbm>>
    %dma_wait3A_346 = arith.constant 0 : i32
    %dma_wait3A_347 = tpu.memref_slice %arg6[%dma_wait3A_346] : memref<13312xi32, #tpu.memory_space<vmem>> -> memref<512xi32, #tpu.memory_space<vmem>>
    %dma_wait3A_348 = arith.constant 0 : i32
    %dma_wait3A_349 = tpu.memref_slice %arg2[%dma_wait3A, %dma_wait3A_348] : memref<26x16384xi32, #tpu.memory_space<hbm>> -> memref<1x16384xi32, #tpu.memory_space<hbm>>
    %dma_wait3A_350 = tpu.memref_squeeze %dma_wait3A_349 : memref<1x16384xi32, #tpu.memory_space<hbm>> -> memref<16384xi32, #tpu.memory_space<hbm>>
    %dma_wait3A_351 = tpu.memref_slice %dma_wait3A_350[%mul3A_2] : memref<16384xi32, #tpu.memory_space<hbm>> -> memref<512xi32, #tpu.memory_space<hbm>>
    tpu.wait_dma2 semaphore(%arg10 : memref<!tpu.dma_semaphore, #tpu.memory_space<semaphore_mem>>) src(%dma_wait3A_351 : memref<512xi32, #tpu.memory_space<hbm>>) dst(%dma_wait3A_347 : memref<512xi32, #tpu.memory_space<vmem>>)
    %dma_wait3A_352 = arith.constant 1 : i32
    %dma_wait3A_353 = arith.constant 512 : i32
    %dma_wait3A_354 = tpu.memref_slice %arg6[%dma_wait3A_353] : memref<13312xi32, #tpu.memory_space<vmem>> -> memref<512xi32, #tpu.memory_space<vmem>>
    %dma_wait3A_355 = arith.constant 0 : i32
    %dma_wait3A_356 = tpu.memref_slice %arg2[%dma_wait3A_352, %dma_wait3A_355] : memref<26x16384xi32, #tpu.memory_space<hbm>> -> memref<1x16384xi32, #tpu.memory_space<hbm>>
    %dma_wait3A_357 = tpu.memref_squeeze %dma_wait3A_356 : memref<1x16384xi32, #tpu.memory_space<hbm>> -> memref<16384xi32, #tpu.memory_space<hbm>>
    %dma_wait3A_358 = tpu.memref_slice %dma_wait3A_357[%mul3A_2] : memref<16384xi32, #tpu.memory_space<hbm>> -> memref<512xi32, #tpu.memory_space<hbm>>
    %dma_wait3A_359 = arith.constant 512 : i32
    %dma_wait3A_360 = tpu.memref_slice %arg6[%dma_wait3A_359] : memref<13312xi32, #tpu.memory_space<vmem>> -> memref<512xi32, #tpu.memory_space<vmem>>
    %dma_wait3A_361 = arith.constant 0 : i32
    %dma_wait3A_362 = tpu.memref_slice %arg2[%dma_wait3A_352, %dma_wait3A_361] : memref<26x16384xi32, #tpu.memory_space<hbm>> -> memref<1x16384xi32, #tpu.memory_space<hbm>>
    %dma_wait3A_363 = tpu.memref_squeeze %dma_wait3A_362 : memref<1x16384xi32, #tpu.memory_space<hbm>> -> memref<16384xi32, #tpu.memory_space<hbm>>
    %dma_wait3A_364 = tpu.memref_slice %dma_wait3A_363[%mul3A_2] : memref<16384xi32, #tpu.memory_space<hbm>> -> memref<512xi32, #tpu.memory_space<hbm>>
    tpu.wait_dma2 semaphore(%arg10 : memref<!tpu.dma_semaphore, #tpu.memory_space<semaphore_mem>>) src(%dma_wait3A_364 : memref<512xi32, #tpu.memory_space<hbm>>) dst(%dma_wait3A_360 : memref<512xi32, #tpu.memory_space<vmem>>)
    %dma_wait3A_365 = arith.constant 2 : i32
    %dma_wait3A_366 = arith.constant 1024 : i32
    %dma_wait3A_367 = tpu.memref_slice %arg6[%dma_wait3A_366] : memref<13312xi32, #tpu.memory_space<vmem>> -> memref<512xi32, #tpu.memory_space<vmem>>
    %dma_wait3A_368 = arith.constant 0 : i32
    %dma_wait3A_369 = tpu.memref_slice %arg2[%dma_wait3A_365, %dma_wait3A_368] : memref<26x16384xi32, #tpu.memory_space<hbm>> -> memref<1x16384xi32, #tpu.memory_space<hbm>>
    %dma_wait3A_370 = tpu.memref_squeeze %dma_wait3A_369 : memref<1x16384xi32, #tpu.memory_space<hbm>> -> memref<16384xi32, #tpu.memory_space<hbm>>
    %dma_wait3A_371 = tpu.memref_slice %dma_wait3A_370[%mul3A_2] : memref<16384xi32, #tpu.memory_space<hbm>> -> memref<512xi32, #tpu.memory_space<hbm>>
    %dma_wait3A_372 = arith.constant 1024 : i32
    %dma_wait3A_373 = tpu.memref_slice %arg6[%dma_wait3A_372] : memref<13312xi32, #tpu.memory_space<vmem>> -> memref<512xi32, #tpu.memory_space<vmem>>
    %dma_wait3A_374 = arith.constant 0 : i32
    %dma_wait3A_375 = tpu.memref_slice %arg2[%dma_wait3A_365, %dma_wait3A_374] : memref<26x16384xi32, #tpu.memory_space<hbm>> -> memref<1x16384xi32, #tpu.memory_space<hbm>>
    %dma_wait3A_376 = tpu.memref_squeeze %dma_wait3A_375 : memref<1x16384xi32, #tpu.memory_space<hbm>> -> memref<16384xi32, #tpu.memory_space<hbm>>
    %dma_wait3A_377 = tpu.memref_slice %dma_wait3A_376[%mul3A_2] : memref<16384xi32, #tpu.memory_space<hbm>> -> memref<512xi32, #tpu.memory_space<hbm>>
    tpu.wait_dma2 semaphore(%arg10 : memref<!tpu.dma_semaphore, #tpu.memory_space<semaphore_mem>>) src(%dma_wait3A_377 : memref<512xi32, #tpu.memory_space<hbm>>) dst(%dma_wait3A_373 : memref<512xi32, #tpu.memory_space<vmem>>)
    %dma_wait3A_378 = arith.constant 3 : i32
    %dma_wait3A_379 = arith.constant 1536 : i32
    %dma_wait3A_380 = tpu.memref_slice %arg6[%dma_wait3A_379] : memref<13312xi32, #tpu.memory_space<vmem>> -> memref<512xi32, #tpu.memory_space<vmem>>
    %dma_wait3A_381 = arith.constant 0 : i32
    %dma_wait3A_382 = tpu.memref_slice %arg2[%dma_wait3A_378, %dma_wait3A_381] : memref<26x16384xi32, #tpu.memory_space<hbm>> -> memref<1x16384xi32, #tpu.memory_space<hbm>>
    %dma_wait3A_383 = tpu.memref_squeeze %dma_wait3A_382 : memref<1x16384xi32, #tpu.memory_space<hbm>> -> memref<16384xi32, #tpu.memory_space<hbm>>
    %dma_wait3A_384 = tpu.memref_slice %dma_wait3A_383[%mul3A_2] : memref<16384xi32, #tpu.memory_space<hbm>> -> memref<512xi32, #tpu.memory_space<hbm>>
    %dma_wait3A_385 = arith.constant 1536 : i32
    %dma_wait3A_386 = tpu.memref_slice %arg6[%dma_wait3A_385] : memref<13312xi32, #tpu.memory_space<vmem>> -> memref<512xi32, #tpu.memory_space<vmem>>
    %dma_wait3A_387 = arith.constant 0 : i32
    %dma_wait3A_388 = tpu.memref_slice %arg2[%dma_wait3A_378, %dma_wait3A_387] : memref<26x16384xi32, #tpu.memory_space<hbm>> -> memref<1x16384xi32, #tpu.memory_space<hbm>>
    %dma_wait3A_389 = tpu.memref_squeeze %dma_wait3A_388 : memref<1x16384xi32, #tpu.memory_space<hbm>> -> memref<16384xi32, #tpu.memory_space<hbm>>
    %dma_wait3A_390 = tpu.memref_slice %dma_wait3A_389[%mul3A_2] : memref<16384xi32, #tpu.memory_space<hbm>> -> memref<512xi32, #tpu.memory_space<hbm>>
    tpu.wait_dma2 semaphore(%arg10 : memref<!tpu.dma_semaphore, #tpu.memory_space<semaphore_mem>>) src(%dma_wait3A_390 : memref<512xi32, #tpu.memory_space<hbm>>) dst(%dma_wait3A_386 : memref<512xi32, #tpu.memory_space<vmem>>)
    %dma_wait3A_391 = arith.constant 4 : i32
    %dma_wait3A_392 = arith.constant 2048 : i32
    %dma_wait3A_393 = tpu.memref_slice %arg6[%dma_wait3A_392] : memref<13312xi32, #tpu.memory_space<vmem>> -> memref<512xi32, #tpu.memory_space<vmem>>
    %dma_wait3A_394 = arith.constant 0 : i32
    %dma_wait3A_395 = tpu.memref_slice %arg2[%dma_wait3A_391, %dma_wait3A_394] : memref<26x16384xi32, #tpu.memory_space<hbm>> -> memref<1x16384xi32, #tpu.memory_space<hbm>>
    %dma_wait3A_396 = tpu.memref_squeeze %dma_wait3A_395 : memref<1x16384xi32, #tpu.memory_space<hbm>> -> memref<16384xi32, #tpu.memory_space<hbm>>
    %dma_wait3A_397 = tpu.memref_slice %dma_wait3A_396[%mul3A_2] : memref<16384xi32, #tpu.memory_space<hbm>> -> memref<512xi32, #tpu.memory_space<hbm>>
    %dma_wait3A_398 = arith.constant 2048 : i32
    %dma_wait3A_399 = tpu.memref_slice %arg6[%dma_wait3A_398] : memref<13312xi32, #tpu.memory_space<vmem>> -> memref<512xi32, #tpu.memory_space<vmem>>
    %dma_wait3A_400 = arith.constant 0 : i32
    %dma_wait3A_401 = tpu.memref_slice %arg2[%dma_wait3A_391, %dma_wait3A_400] : memref<26x16384xi32, #tpu.memory_space<hbm>> -> memref<1x16384xi32, #tpu.memory_space<hbm>>
    %dma_wait3A_402 = tpu.memref_squeeze %dma_wait3A_401 : memref<1x16384xi32, #tpu.memory_space<hbm>> -> memref<16384xi32, #tpu.memory_space<hbm>>
    %dma_wait3A_403 = tpu.memref_slice %dma_wait3A_402[%mul3A_2] : memref<16384xi32, #tpu.memory_space<hbm>> -> memref<512xi32, #tpu.memory_space<hbm>>
    tpu.wait_dma2 semaphore(%arg10 : memref<!tpu.dma_semaphore, #tpu.memory_space<semaphore_mem>>) src(%dma_wait3A_403 : memref<512xi32, #tpu.memory_space<hbm>>) dst(%dma_wait3A_399 : memref<512xi32, #tpu.memory_space<vmem>>)
    %dma_wait3A_404 = arith.constant 5 : i32
    %dma_wait3A_405 = arith.constant 2560 : i32
    %dma_wait3A_406 = tpu.memref_slice %arg6[%dma_wait3A_405] : memref<13312xi32, #tpu.memory_space<vmem>> -> memref<512xi32, #tpu.memory_space<vmem>>
    %dma_wait3A_407 = arith.constant 0 : i32
    %dma_wait3A_408 = tpu.memref_slice %arg2[%dma_wait3A_404, %dma_wait3A_407] : memref<26x16384xi32, #tpu.memory_space<hbm>> -> memref<1x16384xi32, #tpu.memory_space<hbm>>
    %dma_wait3A_409 = tpu.memref_squeeze %dma_wait3A_408 : memref<1x16384xi32, #tpu.memory_space<hbm>> -> memref<16384xi32, #tpu.memory_space<hbm>>
    %dma_wait3A_410 = tpu.memref_slice %dma_wait3A_409[%mul3A_2] : memref<16384xi32, #tpu.memory_space<hbm>> -> memref<512xi32, #tpu.memory_space<hbm>>
    %dma_wait3A_411 = arith.constant 2560 : i32
    %dma_wait3A_412 = tpu.memref_slice %arg6[%dma_wait3A_411] : memref<13312xi32, #tpu.memory_space<vmem>> -> memref<512xi32, #tpu.memory_space<vmem>>
    %dma_wait3A_413 = arith.constant 0 : i32
    %dma_wait3A_414 = tpu.memref_slice %arg2[%dma_wait3A_404, %dma_wait3A_413] : memref<26x16384xi32, #tpu.memory_space<hbm>> -> memref<1x16384xi32, #tpu.memory_space<hbm>>
    %dma_wait3A_415 = tpu.memref_squeeze %dma_wait3A_414 : memref<1x16384xi32, #tpu.memory_space<hbm>> -> memref<16384xi32, #tpu.memory_space<hbm>>
    %dma_wait3A_416 = tpu.memref_slice %dma_wait3A_415[%mul3A_2] : memref<16384xi32, #tpu.memory_space<hbm>> -> memref<512xi32, #tpu.memory_space<hbm>>
    tpu.wait_dma2 semaphore(%arg10 : memref<!tpu.dma_semaphore, #tpu.memory_space<semaphore_mem>>) src(%dma_wait3A_416 : memref<512xi32, #tpu.memory_space<hbm>>) dst(%dma_wait3A_412 : memref<512xi32, #tpu.memory_space<vmem>>)
    %dma_wait3A_417 = arith.constant 6 : i32
    %dma_wait3A_418 = arith.constant 3072 : i32
    %dma_wait3A_419 = tpu.memref_slice %arg6[%dma_wait3A_418] : memref<13312xi32, #tpu.memory_space<vmem>> -> memref<512xi32, #tpu.memory_space<vmem>>
    %dma_wait3A_420 = arith.constant 0 : i32
    %dma_wait3A_421 = tpu.memref_slice %arg2[%dma_wait3A_417, %dma_wait3A_420] : memref<26x16384xi32, #tpu.memory_space<hbm>> -> memref<1x16384xi32, #tpu.memory_space<hbm>>
    %dma_wait3A_422 = tpu.memref_squeeze %dma_wait3A_421 : memref<1x16384xi32, #tpu.memory_space<hbm>> -> memref<16384xi32, #tpu.memory_space<hbm>>
    %dma_wait3A_423 = tpu.memref_slice %dma_wait3A_422[%mul3A_2] : memref<16384xi32, #tpu.memory_space<hbm>> -> memref<512xi32, #tpu.memory_space<hbm>>
    %dma_wait3A_424 = arith.constant 3072 : i32
    %dma_wait3A_425 = tpu.memref_slice %arg6[%dma_wait3A_424] : memref<13312xi32, #tpu.memory_space<vmem>> -> memref<512xi32, #tpu.memory_space<vmem>>
    %dma_wait3A_426 = arith.constant 0 : i32
    %dma_wait3A_427 = tpu.memref_slice %arg2[%dma_wait3A_417, %dma_wait3A_426] : memref<26x16384xi32, #tpu.memory_space<hbm>> -> memref<1x16384xi32, #tpu.memory_space<hbm>>
    %dma_wait3A_428 = tpu.memref_squeeze %dma_wait3A_427 : memref<1x16384xi32, #tpu.memory_space<hbm>> -> memref<16384xi32, #tpu.memory_space<hbm>>
    %dma_wait3A_429 = tpu.memref_slice %dma_wait3A_428[%mul3A_2] : memref<16384xi32, #tpu.memory_space<hbm>> -> memref<512xi32, #tpu.memory_space<hbm>>
    tpu.wait_dma2 semaphore(%arg10 : memref<!tpu.dma_semaphore, #tpu.memory_space<semaphore_mem>>) src(%dma_wait3A_429 : memref<512xi32, #tpu.memory_space<hbm>>) dst(%dma_wait3A_425 : memref<512xi32, #tpu.memory_space<vmem>>)
    %dma_wait3A_430 = arith.constant 7 : i32
    %dma_wait3A_431 = arith.constant 3584 : i32
    %dma_wait3A_432 = tpu.memref_slice %arg6[%dma_wait3A_431] : memref<13312xi32, #tpu.memory_space<vmem>> -> memref<512xi32, #tpu.memory_space<vmem>>
    %dma_wait3A_433 = arith.constant 0 : i32
    %dma_wait3A_434 = tpu.memref_slice %arg2[%dma_wait3A_430, %dma_wait3A_433] : memref<26x16384xi32, #tpu.memory_space<hbm>> -> memref<1x16384xi32, #tpu.memory_space<hbm>>
    %dma_wait3A_435 = tpu.memref_squeeze %dma_wait3A_434 : memref<1x16384xi32, #tpu.memory_space<hbm>> -> memref<16384xi32, #tpu.memory_space<hbm>>
    %dma_wait3A_436 = tpu.memref_slice %dma_wait3A_435[%mul3A_2] : memref<16384xi32, #tpu.memory_space<hbm>> -> memref<512xi32, #tpu.memory_space<hbm>>
    %dma_wait3A_437 = arith.constant 3584 : i32
    %dma_wait3A_438 = tpu.memref_slice %arg6[%dma_wait3A_437] : memref<13312xi32, #tpu.memory_space<vmem>> -> memref<512xi32, #tpu.memory_space<vmem>>
    %dma_wait3A_439 = arith.constant 0 : i32
    %dma_wait3A_440 = tpu.memref_slice %arg2[%dma_wait3A_430, %dma_wait3A_439] : memref<26x16384xi32, #tpu.memory_space<hbm>> -> memref<1x16384xi32, #tpu.memory_space<hbm>>
    %dma_wait3A_441 = tpu.memref_squeeze %dma_wait3A_440 : memref<1x16384xi32, #tpu.memory_space<hbm>> -> memref<16384xi32, #tpu.memory_space<hbm>>
    %dma_wait3A_442 = tpu.memref_slice %dma_wait3A_441[%mul3A_2] : memref<16384xi32, #tpu.memory_space<hbm>> -> memref<512xi32, #tpu.memory_space<hbm>>
    tpu.wait_dma2 semaphore(%arg10 : memref<!tpu.dma_semaphore, #tpu.memory_space<semaphore_mem>>) src(%dma_wait3A_442 : memref<512xi32, #tpu.memory_space<hbm>>) dst(%dma_wait3A_438 : memref<512xi32, #tpu.memory_space<vmem>>)
    %dma_wait3A_443 = arith.constant 8 : i32
    %dma_wait3A_444 = arith.constant 4096 : i32
    %dma_wait3A_445 = tpu.memref_slice %arg6[%dma_wait3A_444] : memref<13312xi32, #tpu.memory_space<vmem>> -> memref<512xi32, #tpu.memory_space<vmem>>
    %dma_wait3A_446 = arith.constant 0 : i32
    %dma_wait3A_447 = tpu.memref_slice %arg2[%dma_wait3A_443, %dma_wait3A_446] : memref<26x16384xi32, #tpu.memory_space<hbm>> -> memref<1x16384xi32, #tpu.memory_space<hbm>>
    %dma_wait3A_448 = tpu.memref_squeeze %dma_wait3A_447 : memref<1x16384xi32, #tpu.memory_space<hbm>> -> memref<16384xi32, #tpu.memory_space<hbm>>
    %dma_wait3A_449 = tpu.memref_slice %dma_wait3A_448[%mul3A_2] : memref<16384xi32, #tpu.memory_space<hbm>> -> memref<512xi32, #tpu.memory_space<hbm>>
    %dma_wait3A_450 = arith.constant 4096 : i32
    %dma_wait3A_451 = tpu.memref_slice %arg6[%dma_wait3A_450] : memref<13312xi32, #tpu.memory_space<vmem>> -> memref<512xi32, #tpu.memory_space<vmem>>
    %dma_wait3A_452 = arith.constant 0 : i32
    %dma_wait3A_453 = tpu.memref_slice %arg2[%dma_wait3A_443, %dma_wait3A_452] : memref<26x16384xi32, #tpu.memory_space<hbm>> -> memref<1x16384xi32, #tpu.memory_space<hbm>>
    %dma_wait3A_454 = tpu.memref_squeeze %dma_wait3A_453 : memref<1x16384xi32, #tpu.memory_space<hbm>> -> memref<16384xi32, #tpu.memory_space<hbm>>
    %dma_wait3A_455 = tpu.memref_slice %dma_wait3A_454[%mul3A_2] : memref<16384xi32, #tpu.memory_space<hbm>> -> memref<512xi32, #tpu.memory_space<hbm>>
    tpu.wait_dma2 semaphore(%arg10 : memref<!tpu.dma_semaphore, #tpu.memory_space<semaphore_mem>>) src(%dma_wait3A_455 : memref<512xi32, #tpu.memory_space<hbm>>) dst(%dma_wait3A_451 : memref<512xi32, #tpu.memory_space<vmem>>)
    %dma_wait3A_456 = arith.constant 9 : i32
    %dma_wait3A_457 = arith.constant 4608 : i32
    %dma_wait3A_458 = tpu.memref_slice %arg6[%dma_wait3A_457] : memref<13312xi32, #tpu.memory_space<vmem>> -> memref<512xi32, #tpu.memory_space<vmem>>
    %dma_wait3A_459 = arith.constant 0 : i32
    %dma_wait3A_460 = tpu.memref_slice %arg2[%dma_wait3A_456, %dma_wait3A_459] : memref<26x16384xi32, #tpu.memory_space<hbm>> -> memref<1x16384xi32, #tpu.memory_space<hbm>>
    %dma_wait3A_461 = tpu.memref_squeeze %dma_wait3A_460 : memref<1x16384xi32, #tpu.memory_space<hbm>> -> memref<16384xi32, #tpu.memory_space<hbm>>
    %dma_wait3A_462 = tpu.memref_slice %dma_wait3A_461[%mul3A_2] : memref<16384xi32, #tpu.memory_space<hbm>> -> memref<512xi32, #tpu.memory_space<hbm>>
    %dma_wait3A_463 = arith.constant 4608 : i32
    %dma_wait3A_464 = tpu.memref_slice %arg6[%dma_wait3A_463] : memref<13312xi32, #tpu.memory_space<vmem>> -> memref<512xi32, #tpu.memory_space<vmem>>
    %dma_wait3A_465 = arith.constant 0 : i32
    %dma_wait3A_466 = tpu.memref_slice %arg2[%dma_wait3A_456, %dma_wait3A_465] : memref<26x16384xi32, #tpu.memory_space<hbm>> -> memref<1x16384xi32, #tpu.memory_space<hbm>>
    %dma_wait3A_467 = tpu.memref_squeeze %dma_wait3A_466 : memref<1x16384xi32, #tpu.memory_space<hbm>> -> memref<16384xi32, #tpu.memory_space<hbm>>
    %dma_wait3A_468 = tpu.memref_slice %dma_wait3A_467[%mul3A_2] : memref<16384xi32, #tpu.memory_space<hbm>> -> memref<512xi32, #tpu.memory_space<hbm>>
    tpu.wait_dma2 semaphore(%arg10 : memref<!tpu.dma_semaphore, #tpu.memory_space<semaphore_mem>>) src(%dma_wait3A_468 : memref<512xi32, #tpu.memory_space<hbm>>) dst(%dma_wait3A_464 : memref<512xi32, #tpu.memory_space<vmem>>)
    %dma_wait3A_469 = arith.constant 10 : i32
    %dma_wait3A_470 = arith.constant 5120 : i32
    %dma_wait3A_471 = tpu.memref_slice %arg6[%dma_wait3A_470] : memref<13312xi32, #tpu.memory_space<vmem>> -> memref<512xi32, #tpu.memory_space<vmem>>
    %dma_wait3A_472 = arith.constant 0 : i32
    %dma_wait3A_473 = tpu.memref_slice %arg2[%dma_wait3A_469, %dma_wait3A_472] : memref<26x16384xi32, #tpu.memory_space<hbm>> -> memref<1x16384xi32, #tpu.memory_space<hbm>>
    %dma_wait3A_474 = tpu.memref_squeeze %dma_wait3A_473 : memref<1x16384xi32, #tpu.memory_space<hbm>> -> memref<16384xi32, #tpu.memory_space<hbm>>
    %dma_wait3A_475 = tpu.memref_slice %dma_wait3A_474[%mul3A_2] : memref<16384xi32, #tpu.memory_space<hbm>> -> memref<512xi32, #tpu.memory_space<hbm>>
    %dma_wait3A_476 = arith.constant 5120 : i32
    %dma_wait3A_477 = tpu.memref_slice %arg6[%dma_wait3A_476] : memref<13312xi32, #tpu.memory_space<vmem>> -> memref<512xi32, #tpu.memory_space<vmem>>
    %dma_wait3A_478 = arith.constant 0 : i32
    %dma_wait3A_479 = tpu.memref_slice %arg2[%dma_wait3A_469, %dma_wait3A_478] : memref<26x16384xi32, #tpu.memory_space<hbm>> -> memref<1x16384xi32, #tpu.memory_space<hbm>>
    %dma_wait3A_480 = tpu.memref_squeeze %dma_wait3A_479 : memref<1x16384xi32, #tpu.memory_space<hbm>> -> memref<16384xi32, #tpu.memory_space<hbm>>
    %dma_wait3A_481 = tpu.memref_slice %dma_wait3A_480[%mul3A_2] : memref<16384xi32, #tpu.memory_space<hbm>> -> memref<512xi32, #tpu.memory_space<hbm>>
    tpu.wait_dma2 semaphore(%arg10 : memref<!tpu.dma_semaphore, #tpu.memory_space<semaphore_mem>>) src(%dma_wait3A_481 : memref<512xi32, #tpu.memory_space<hbm>>) dst(%dma_wait3A_477 : memref<512xi32, #tpu.memory_space<vmem>>)
    %dma_wait3A_482 = arith.constant 11 : i32
    %dma_wait3A_483 = arith.constant 5632 : i32
    %dma_wait3A_484 = tpu.memref_slice %arg6[%dma_wait3A_483] : memref<13312xi32, #tpu.memory_space<vmem>> -> memref<512xi32, #tpu.memory_space<vmem>>
    %dma_wait3A_485 = arith.constant 0 : i32
    %dma_wait3A_486 = tpu.memref_slice %arg2[%dma_wait3A_482, %dma_wait3A_485] : memref<26x16384xi32, #tpu.memory_space<hbm>> -> memref<1x16384xi32, #tpu.memory_space<hbm>>
    %dma_wait3A_487 = tpu.memref_squeeze %dma_wait3A_486 : memref<1x16384xi32, #tpu.memory_space<hbm>> -> memref<16384xi32, #tpu.memory_space<hbm>>
    %dma_wait3A_488 = tpu.memref_slice %dma_wait3A_487[%mul3A_2] : memref<16384xi32, #tpu.memory_space<hbm>> -> memref<512xi32, #tpu.memory_space<hbm>>
    %dma_wait3A_489 = arith.constant 5632 : i32
    %dma_wait3A_490 = tpu.memref_slice %arg6[%dma_wait3A_489] : memref<13312xi32, #tpu.memory_space<vmem>> -> memref<512xi32, #tpu.memory_space<vmem>>
    %dma_wait3A_491 = arith.constant 0 : i32
    %dma_wait3A_492 = tpu.memref_slice %arg2[%dma_wait3A_482, %dma_wait3A_491] : memref<26x16384xi32, #tpu.memory_space<hbm>> -> memref<1x16384xi32, #tpu.memory_space<hbm>>
    %dma_wait3A_493 = tpu.memref_squeeze %dma_wait3A_492 : memref<1x16384xi32, #tpu.memory_space<hbm>> -> memref<16384xi32, #tpu.memory_space<hbm>>
    %dma_wait3A_494 = tpu.memref_slice %dma_wait3A_493[%mul3A_2] : memref<16384xi32, #tpu.memory_space<hbm>> -> memref<512xi32, #tpu.memory_space<hbm>>
    tpu.wait_dma2 semaphore(%arg10 : memref<!tpu.dma_semaphore, #tpu.memory_space<semaphore_mem>>) src(%dma_wait3A_494 : memref<512xi32, #tpu.memory_space<hbm>>) dst(%dma_wait3A_490 : memref<512xi32, #tpu.memory_space<vmem>>)
    %dma_wait3A_495 = arith.constant 12 : i32
    %dma_wait3A_496 = arith.constant 6144 : i32
    %dma_wait3A_497 = tpu.memref_slice %arg6[%dma_wait3A_496] : memref<13312xi32, #tpu.memory_space<vmem>> -> memref<512xi32, #tpu.memory_space<vmem>>
    %dma_wait3A_498 = arith.constant 0 : i32
    %dma_wait3A_499 = tpu.memref_slice %arg2[%dma_wait3A_495, %dma_wait3A_498] : memref<26x16384xi32, #tpu.memory_space<hbm>> -> memref<1x16384xi32, #tpu.memory_space<hbm>>
    %dma_wait3A_500 = tpu.memref_squeeze %dma_wait3A_499 : memref<1x16384xi32, #tpu.memory_space<hbm>> -> memref<16384xi32, #tpu.memory_space<hbm>>
    %dma_wait3A_501 = tpu.memref_slice %dma_wait3A_500[%mul3A_2] : memref<16384xi32, #tpu.memory_space<hbm>> -> memref<512xi32, #tpu.memory_space<hbm>>
    %dma_wait3A_502 = arith.constant 6144 : i32
    %dma_wait3A_503 = tpu.memref_slice %arg6[%dma_wait3A_502] : memref<13312xi32, #tpu.memory_space<vmem>> -> memref<512xi32, #tpu.memory_space<vmem>>
    %dma_wait3A_504 = arith.constant 0 : i32
    %dma_wait3A_505 = tpu.memref_slice %arg2[%dma_wait3A_495, %dma_wait3A_504] : memref<26x16384xi32, #tpu.memory_space<hbm>> -> memref<1x16384xi32, #tpu.memory_space<hbm>>
    %dma_wait3A_506 = tpu.memref_squeeze %dma_wait3A_505 : memref<1x16384xi32, #tpu.memory_space<hbm>> -> memref<16384xi32, #tpu.memory_space<hbm>>
    %dma_wait3A_507 = tpu.memref_slice %dma_wait3A_506[%mul3A_2] : memref<16384xi32, #tpu.memory_space<hbm>> -> memref<512xi32, #tpu.memory_space<hbm>>
    tpu.wait_dma2 semaphore(%arg10 : memref<!tpu.dma_semaphore, #tpu.memory_space<semaphore_mem>>) src(%dma_wait3A_507 : memref<512xi32, #tpu.memory_space<hbm>>) dst(%dma_wait3A_503 : memref<512xi32, #tpu.memory_space<vmem>>)
    %dma_start3A_508 = arith.constant 0 : i32
    %dma_start3A_509 = arith.constant 0 : i32
    %dma_start3A_510 = tpu.memref_slice %arg7[%dma_start3A_509] : memref<13312xf32, #tpu.memory_space<vmem>> -> memref<6656xf32, #tpu.memory_space<vmem>>
    %dma_start3A_511 = arith.constant 0 : i32
    %dma_start3A_512 = tpu.memref_slice %arg6[%dma_start3A_511] : memref<13312xi32, #tpu.memory_space<vmem>> -> memref<6656xi32, #tpu.memory_space<vmem>>
    %dma_start3A_513 = arith.constant 0 : i32
    %dma_start3A_514 = tpu.memref_slice %arg3[%dma_start3A_508, %dma_start3A_513] : memref<1x1000000xf32, #tpu.memory_space<hbm>> -> memref<1x1000000xf32, #tpu.memory_space<hbm>>
    %dma_start3A_515 = tpu.memref_squeeze %dma_start3A_514 : memref<1x1000000xf32, #tpu.memory_space<hbm>> -> memref<1000000xf32, #tpu.memory_space<hbm>>
    %dma_start3A_516 = arith.constant 0 : i32
    %dma_start3A_517 = tpu.memref_slice %dma_start3A_515[%dma_start3A_516] : memref<1000000xf32, #tpu.memory_space<hbm>> -> memref<1000000xf32, #tpu.memory_space<hbm>>
    tpu.enqueue_indirect_dma source(%dma_start3A_517 : memref<1000000xf32, #tpu.memory_space<hbm>>) target(%dma_start3A_510 : memref<6656xf32, #tpu.memory_space<vmem>>) offsets(%dma_start3A_512 : memref<6656xi32, #tpu.memory_space<vmem>>) semaphore(%arg12 : memref<!tpu.dma_semaphore, #tpu.memory_space<semaphore_mem>>)
    %dma_wait3A_518 = arith.constant 13 : i32
    %dma_wait3A_519 = arith.constant 6656 : i32
    %dma_wait3A_520 = tpu.memref_slice %arg6[%dma_wait3A_519] : memref<13312xi32, #tpu.memory_space<vmem>> -> memref<512xi32, #tpu.memory_space<vmem>>
    %dma_wait3A_521 = arith.constant 0 : i32
    %dma_wait3A_522 = tpu.memref_slice %arg2[%dma_wait3A_518, %dma_wait3A_521] : memref<26x16384xi32, #tpu.memory_space<hbm>> -> memref<1x16384xi32, #tpu.memory_space<hbm>>
    %dma_wait3A_523 = tpu.memref_squeeze %dma_wait3A_522 : memref<1x16384xi32, #tpu.memory_space<hbm>> -> memref<16384xi32, #tpu.memory_space<hbm>>
    %dma_wait3A_524 = tpu.memref_slice %dma_wait3A_523[%mul3A_2] : memref<16384xi32, #tpu.memory_space<hbm>> -> memref<512xi32, #tpu.memory_space<hbm>>
    %dma_wait3A_525 = arith.constant 6656 : i32
    %dma_wait3A_526 = tpu.memref_slice %arg6[%dma_wait3A_525] : memref<13312xi32, #tpu.memory_space<vmem>> -> memref<512xi32, #tpu.memory_space<vmem>>
    %dma_wait3A_527 = arith.constant 0 : i32
    %dma_wait3A_528 = tpu.memref_slice %arg2[%dma_wait3A_518, %dma_wait3A_527] : memref<26x16384xi32, #tpu.memory_space<hbm>> -> memref<1x16384xi32, #tpu.memory_space<hbm>>
    %dma_wait3A_529 = tpu.memref_squeeze %dma_wait3A_528 : memref<1x16384xi32, #tpu.memory_space<hbm>> -> memref<16384xi32, #tpu.memory_space<hbm>>
    %dma_wait3A_530 = tpu.memref_slice %dma_wait3A_529[%mul3A_2] : memref<16384xi32, #tpu.memory_space<hbm>> -> memref<512xi32, #tpu.memory_space<hbm>>
    tpu.wait_dma2 semaphore(%arg11 : memref<!tpu.dma_semaphore, #tpu.memory_space<semaphore_mem>>) src(%dma_wait3A_530 : memref<512xi32, #tpu.memory_space<hbm>>) dst(%dma_wait3A_526 : memref<512xi32, #tpu.memory_space<vmem>>)
    %dma_wait3A_531 = arith.constant 14 : i32
    %dma_wait3A_532 = arith.constant 7168 : i32
    %dma_wait3A_533 = tpu.memref_slice %arg6[%dma_wait3A_532] : memref<13312xi32, #tpu.memory_space<vmem>> -> memref<512xi32, #tpu.memory_space<vmem>>
    %dma_wait3A_534 = arith.constant 0 : i32
    %dma_wait3A_535 = tpu.memref_slice %arg2[%dma_wait3A_531, %dma_wait3A_534] : memref<26x16384xi32, #tpu.memory_space<hbm>> -> memref<1x16384xi32, #tpu.memory_space<hbm>>
    %dma_wait3A_536 = tpu.memref_squeeze %dma_wait3A_535 : memref<1x16384xi32, #tpu.memory_space<hbm>> -> memref<16384xi32, #tpu.memory_space<hbm>>
    %dma_wait3A_537 = tpu.memref_slice %dma_wait3A_536[%mul3A_2] : memref<16384xi32, #tpu.memory_space<hbm>> -> memref<512xi32, #tpu.memory_space<hbm>>
    %dma_wait3A_538 = arith.constant 7168 : i32
    %dma_wait3A_539 = tpu.memref_slice %arg6[%dma_wait3A_538] : memref<13312xi32, #tpu.memory_space<vmem>> -> memref<512xi32, #tpu.memory_space<vmem>>
    %dma_wait3A_540 = arith.constant 0 : i32
    %dma_wait3A_541 = tpu.memref_slice %arg2[%dma_wait3A_531, %dma_wait3A_540] : memref<26x16384xi32, #tpu.memory_space<hbm>> -> memref<1x16384xi32, #tpu.memory_space<hbm>>
    %dma_wait3A_542 = tpu.memref_squeeze %dma_wait3A_541 : memref<1x16384xi32, #tpu.memory_space<hbm>> -> memref<16384xi32, #tpu.memory_space<hbm>>
    %dma_wait3A_543 = tpu.memref_slice %dma_wait3A_542[%mul3A_2] : memref<16384xi32, #tpu.memory_space<hbm>> -> memref<512xi32, #tpu.memory_space<hbm>>
    tpu.wait_dma2 semaphore(%arg11 : memref<!tpu.dma_semaphore, #tpu.memory_space<semaphore_mem>>) src(%dma_wait3A_543 : memref<512xi32, #tpu.memory_space<hbm>>) dst(%dma_wait3A_539 : memref<512xi32, #tpu.memory_space<vmem>>)
    %dma_wait3A_544 = arith.constant 15 : i32
    %dma_wait3A_545 = arith.constant 7680 : i32
    %dma_wait3A_546 = tpu.memref_slice %arg6[%dma_wait3A_545] : memref<13312xi32, #tpu.memory_space<vmem>> -> memref<512xi32, #tpu.memory_space<vmem>>
    %dma_wait3A_547 = arith.constant 0 : i32
    %dma_wait3A_548 = tpu.memref_slice %arg2[%dma_wait3A_544, %dma_wait3A_547] : memref<26x16384xi32, #tpu.memory_space<hbm>> -> memref<1x16384xi32, #tpu.memory_space<hbm>>
    %dma_wait3A_549 = tpu.memref_squeeze %dma_wait3A_548 : memref<1x16384xi32, #tpu.memory_space<hbm>> -> memref<16384xi32, #tpu.memory_space<hbm>>
    %dma_wait3A_550 = tpu.memref_slice %dma_wait3A_549[%mul3A_2] : memref<16384xi32, #tpu.memory_space<hbm>> -> memref<512xi32, #tpu.memory_space<hbm>>
    %dma_wait3A_551 = arith.constant 7680 : i32
    %dma_wait3A_552 = tpu.memref_slice %arg6[%dma_wait3A_551] : memref<13312xi32, #tpu.memory_space<vmem>> -> memref<512xi32, #tpu.memory_space<vmem>>
    %dma_wait3A_553 = arith.constant 0 : i32
    %dma_wait3A_554 = tpu.memref_slice %arg2[%dma_wait3A_544, %dma_wait3A_553] : memref<26x16384xi32, #tpu.memory_space<hbm>> -> memref<1x16384xi32, #tpu.memory_space<hbm>>
    %dma_wait3A_555 = tpu.memref_squeeze %dma_wait3A_554 : memref<1x16384xi32, #tpu.memory_space<hbm>> -> memref<16384xi32, #tpu.memory_space<hbm>>
    %dma_wait3A_556 = tpu.memref_slice %dma_wait3A_555[%mul3A_2] : memref<16384xi32, #tpu.memory_space<hbm>> -> memref<512xi32, #tpu.memory_space<hbm>>
    tpu.wait_dma2 semaphore(%arg11 : memref<!tpu.dma_semaphore, #tpu.memory_space<semaphore_mem>>) src(%dma_wait3A_556 : memref<512xi32, #tpu.memory_space<hbm>>) dst(%dma_wait3A_552 : memref<512xi32, #tpu.memory_space<vmem>>)
    %dma_wait3A_557 = arith.constant 16 : i32
    %dma_wait3A_558 = arith.constant 8192 : i32
    %dma_wait3A_559 = tpu.memref_slice %arg6[%dma_wait3A_558] : memref<13312xi32, #tpu.memory_space<vmem>> -> memref<512xi32, #tpu.memory_space<vmem>>
    %dma_wait3A_560 = arith.constant 0 : i32
    %dma_wait3A_561 = tpu.memref_slice %arg2[%dma_wait3A_557, %dma_wait3A_560] : memref<26x16384xi32, #tpu.memory_space<hbm>> -> memref<1x16384xi32, #tpu.memory_space<hbm>>
    %dma_wait3A_562 = tpu.memref_squeeze %dma_wait3A_561 : memref<1x16384xi32, #tpu.memory_space<hbm>> -> memref<16384xi32, #tpu.memory_space<hbm>>
    %dma_wait3A_563 = tpu.memref_slice %dma_wait3A_562[%mul3A_2] : memref<16384xi32, #tpu.memory_space<hbm>> -> memref<512xi32, #tpu.memory_space<hbm>>
    %dma_wait3A_564 = arith.constant 8192 : i32
    %dma_wait3A_565 = tpu.memref_slice %arg6[%dma_wait3A_564] : memref<13312xi32, #tpu.memory_space<vmem>> -> memref<512xi32, #tpu.memory_space<vmem>>
    %dma_wait3A_566 = arith.constant 0 : i32
    %dma_wait3A_567 = tpu.memref_slice %arg2[%dma_wait3A_557, %dma_wait3A_566] : memref<26x16384xi32, #tpu.memory_space<hbm>> -> memref<1x16384xi32, #tpu.memory_space<hbm>>
    %dma_wait3A_568 = tpu.memref_squeeze %dma_wait3A_567 : memref<1x16384xi32, #tpu.memory_space<hbm>> -> memref<16384xi32, #tpu.memory_space<hbm>>
    %dma_wait3A_569 = tpu.memref_slice %dma_wait3A_568[%mul3A_2] : memref<16384xi32, #tpu.memory_space<hbm>> -> memref<512xi32, #tpu.memory_space<hbm>>
    tpu.wait_dma2 semaphore(%arg11 : memref<!tpu.dma_semaphore, #tpu.memory_space<semaphore_mem>>) src(%dma_wait3A_569 : memref<512xi32, #tpu.memory_space<hbm>>) dst(%dma_wait3A_565 : memref<512xi32, #tpu.memory_space<vmem>>)
    %dma_wait3A_570 = arith.constant 17 : i32
    %dma_wait3A_571 = arith.constant 8704 : i32
    %dma_wait3A_572 = tpu.memref_slice %arg6[%dma_wait3A_571] : memref<13312xi32, #tpu.memory_space<vmem>> -> memref<512xi32, #tpu.memory_space<vmem>>
    %dma_wait3A_573 = arith.constant 0 : i32
    %dma_wait3A_574 = tpu.memref_slice %arg2[%dma_wait3A_570, %dma_wait3A_573] : memref<26x16384xi32, #tpu.memory_space<hbm>> -> memref<1x16384xi32, #tpu.memory_space<hbm>>
    %dma_wait3A_575 = tpu.memref_squeeze %dma_wait3A_574 : memref<1x16384xi32, #tpu.memory_space<hbm>> -> memref<16384xi32, #tpu.memory_space<hbm>>
    %dma_wait3A_576 = tpu.memref_slice %dma_wait3A_575[%mul3A_2] : memref<16384xi32, #tpu.memory_space<hbm>> -> memref<512xi32, #tpu.memory_space<hbm>>
    %dma_wait3A_577 = arith.constant 8704 : i32
    %dma_wait3A_578 = tpu.memref_slice %arg6[%dma_wait3A_577] : memref<13312xi32, #tpu.memory_space<vmem>> -> memref<512xi32, #tpu.memory_space<vmem>>
    %dma_wait3A_579 = arith.constant 0 : i32
    %dma_wait3A_580 = tpu.memref_slice %arg2[%dma_wait3A_570, %dma_wait3A_579] : memref<26x16384xi32, #tpu.memory_space<hbm>> -> memref<1x16384xi32, #tpu.memory_space<hbm>>
    %dma_wait3A_581 = tpu.memref_squeeze %dma_wait3A_580 : memref<1x16384xi32, #tpu.memory_space<hbm>> -> memref<16384xi32, #tpu.memory_space<hbm>>
    %dma_wait3A_582 = tpu.memref_slice %dma_wait3A_581[%mul3A_2] : memref<16384xi32, #tpu.memory_space<hbm>> -> memref<512xi32, #tpu.memory_space<hbm>>
    tpu.wait_dma2 semaphore(%arg11 : memref<!tpu.dma_semaphore, #tpu.memory_space<semaphore_mem>>) src(%dma_wait3A_582 : memref<512xi32, #tpu.memory_space<hbm>>) dst(%dma_wait3A_578 : memref<512xi32, #tpu.memory_space<vmem>>)
    %dma_wait3A_583 = arith.constant 18 : i32
    %dma_wait3A_584 = arith.constant 9216 : i32
    %dma_wait3A_585 = tpu.memref_slice %arg6[%dma_wait3A_584] : memref<13312xi32, #tpu.memory_space<vmem>> -> memref<512xi32, #tpu.memory_space<vmem>>
    %dma_wait3A_586 = arith.constant 0 : i32
    %dma_wait3A_587 = tpu.memref_slice %arg2[%dma_wait3A_583, %dma_wait3A_586] : memref<26x16384xi32, #tpu.memory_space<hbm>> -> memref<1x16384xi32, #tpu.memory_space<hbm>>
    %dma_wait3A_588 = tpu.memref_squeeze %dma_wait3A_587 : memref<1x16384xi32, #tpu.memory_space<hbm>> -> memref<16384xi32, #tpu.memory_space<hbm>>
    %dma_wait3A_589 = tpu.memref_slice %dma_wait3A_588[%mul3A_2] : memref<16384xi32, #tpu.memory_space<hbm>> -> memref<512xi32, #tpu.memory_space<hbm>>
    %dma_wait3A_590 = arith.constant 9216 : i32
    %dma_wait3A_591 = tpu.memref_slice %arg6[%dma_wait3A_590] : memref<13312xi32, #tpu.memory_space<vmem>> -> memref<512xi32, #tpu.memory_space<vmem>>
    %dma_wait3A_592 = arith.constant 0 : i32
    %dma_wait3A_593 = tpu.memref_slice %arg2[%dma_wait3A_583, %dma_wait3A_592] : memref<26x16384xi32, #tpu.memory_space<hbm>> -> memref<1x16384xi32, #tpu.memory_space<hbm>>
    %dma_wait3A_594 = tpu.memref_squeeze %dma_wait3A_593 : memref<1x16384xi32, #tpu.memory_space<hbm>> -> memref<16384xi32, #tpu.memory_space<hbm>>
    %dma_wait3A_595 = tpu.memref_slice %dma_wait3A_594[%mul3A_2] : memref<16384xi32, #tpu.memory_space<hbm>> -> memref<512xi32, #tpu.memory_space<hbm>>
    tpu.wait_dma2 semaphore(%arg11 : memref<!tpu.dma_semaphore, #tpu.memory_space<semaphore_mem>>) src(%dma_wait3A_595 : memref<512xi32, #tpu.memory_space<hbm>>) dst(%dma_wait3A_591 : memref<512xi32, #tpu.memory_space<vmem>>)
    %dma_wait3A_596 = arith.constant 19 : i32
    %dma_wait3A_597 = arith.constant 9728 : i32
    %dma_wait3A_598 = tpu.memref_slice %arg6[%dma_wait3A_597] : memref<13312xi32, #tpu.memory_space<vmem>> -> memref<512xi32, #tpu.memory_space<vmem>>
    %dma_wait3A_599 = arith.constant 0 : i32
    %dma_wait3A_600 = tpu.memref_slice %arg2[%dma_wait3A_596, %dma_wait3A_599] : memref<26x16384xi32, #tpu.memory_space<hbm>> -> memref<1x16384xi32, #tpu.memory_space<hbm>>
    %dma_wait3A_601 = tpu.memref_squeeze %dma_wait3A_600 : memref<1x16384xi32, #tpu.memory_space<hbm>> -> memref<16384xi32, #tpu.memory_space<hbm>>
    %dma_wait3A_602 = tpu.memref_slice %dma_wait3A_601[%mul3A_2] : memref<16384xi32, #tpu.memory_space<hbm>> -> memref<512xi32, #tpu.memory_space<hbm>>
    %dma_wait3A_603 = arith.constant 9728 : i32
    %dma_wait3A_604 = tpu.memref_slice %arg6[%dma_wait3A_603] : memref<13312xi32, #tpu.memory_space<vmem>> -> memref<512xi32, #tpu.memory_space<vmem>>
    %dma_wait3A_605 = arith.constant 0 : i32
    %dma_wait3A_606 = tpu.memref_slice %arg2[%dma_wait3A_596, %dma_wait3A_605] : memref<26x16384xi32, #tpu.memory_space<hbm>> -> memref<1x16384xi32, #tpu.memory_space<hbm>>
    %dma_wait3A_607 = tpu.memref_squeeze %dma_wait3A_606 : memref<1x16384xi32, #tpu.memory_space<hbm>> -> memref<16384xi32, #tpu.memory_space<hbm>>
    %dma_wait3A_608 = tpu.memref_slice %dma_wait3A_607[%mul3A_2] : memref<16384xi32, #tpu.memory_space<hbm>> -> memref<512xi32, #tpu.memory_space<hbm>>
    tpu.wait_dma2 semaphore(%arg11 : memref<!tpu.dma_semaphore, #tpu.memory_space<semaphore_mem>>) src(%dma_wait3A_608 : memref<512xi32, #tpu.memory_space<hbm>>) dst(%dma_wait3A_604 : memref<512xi32, #tpu.memory_space<vmem>>)
    %dma_wait3A_609 = arith.constant 20 : i32
    %dma_wait3A_610 = arith.constant 10240 : i32
    %dma_wait3A_611 = tpu.memref_slice %arg6[%dma_wait3A_610] : memref<13312xi32, #tpu.memory_space<vmem>> -> memref<512xi32, #tpu.memory_space<vmem>>
    %dma_wait3A_612 = arith.constant 0 : i32
    %dma_wait3A_613 = tpu.memref_slice %arg2[%dma_wait3A_609, %dma_wait3A_612] : memref<26x16384xi32, #tpu.memory_space<hbm>> -> memref<1x16384xi32, #tpu.memory_space<hbm>>
    %dma_wait3A_614 = tpu.memref_squeeze %dma_wait3A_613 : memref<1x16384xi32, #tpu.memory_space<hbm>> -> memref<16384xi32, #tpu.memory_space<hbm>>
    %dma_wait3A_615 = tpu.memref_slice %dma_wait3A_614[%mul3A_2] : memref<16384xi32, #tpu.memory_space<hbm>> -> memref<512xi32, #tpu.memory_space<hbm>>
    %dma_wait3A_616 = arith.constant 10240 : i32
    %dma_wait3A_617 = tpu.memref_slice %arg6[%dma_wait3A_616] : memref<13312xi32, #tpu.memory_space<vmem>> -> memref<512xi32, #tpu.memory_space<vmem>>
    %dma_wait3A_618 = arith.constant 0 : i32
    %dma_wait3A_619 = tpu.memref_slice %arg2[%dma_wait3A_609, %dma_wait3A_618] : memref<26x16384xi32, #tpu.memory_space<hbm>> -> memref<1x16384xi32, #tpu.memory_space<hbm>>
    %dma_wait3A_620 = tpu.memref_squeeze %dma_wait3A_619 : memref<1x16384xi32, #tpu.memory_space<hbm>> -> memref<16384xi32, #tpu.memory_space<hbm>>
    %dma_wait3A_621 = tpu.memref_slice %dma_wait3A_620[%mul3A_2] : memref<16384xi32, #tpu.memory_space<hbm>> -> memref<512xi32, #tpu.memory_space<hbm>>
    tpu.wait_dma2 semaphore(%arg11 : memref<!tpu.dma_semaphore, #tpu.memory_space<semaphore_mem>>) src(%dma_wait3A_621 : memref<512xi32, #tpu.memory_space<hbm>>) dst(%dma_wait3A_617 : memref<512xi32, #tpu.memory_space<vmem>>)
    %dma_wait3A_622 = arith.constant 21 : i32
    %dma_wait3A_623 = arith.constant 10752 : i32
    %dma_wait3A_624 = tpu.memref_slice %arg6[%dma_wait3A_623] : memref<13312xi32, #tpu.memory_space<vmem>> -> memref<512xi32, #tpu.memory_space<vmem>>
    %dma_wait3A_625 = arith.constant 0 : i32
    %dma_wait3A_626 = tpu.memref_slice %arg2[%dma_wait3A_622, %dma_wait3A_625] : memref<26x16384xi32, #tpu.memory_space<hbm>> -> memref<1x16384xi32, #tpu.memory_space<hbm>>
    %dma_wait3A_627 = tpu.memref_squeeze %dma_wait3A_626 : memref<1x16384xi32, #tpu.memory_space<hbm>> -> memref<16384xi32, #tpu.memory_space<hbm>>
    %dma_wait3A_628 = tpu.memref_slice %dma_wait3A_627[%mul3A_2] : memref<16384xi32, #tpu.memory_space<hbm>> -> memref<512xi32, #tpu.memory_space<hbm>>
    %dma_wait3A_629 = arith.constant 10752 : i32
    %dma_wait3A_630 = tpu.memref_slice %arg6[%dma_wait3A_629] : memref<13312xi32, #tpu.memory_space<vmem>> -> memref<512xi32, #tpu.memory_space<vmem>>
    %dma_wait3A_631 = arith.constant 0 : i32
    %dma_wait3A_632 = tpu.memref_slice %arg2[%dma_wait3A_622, %dma_wait3A_631] : memref<26x16384xi32, #tpu.memory_space<hbm>> -> memref<1x16384xi32, #tpu.memory_space<hbm>>
    %dma_wait3A_633 = tpu.memref_squeeze %dma_wait3A_632 : memref<1x16384xi32, #tpu.memory_space<hbm>> -> memref<16384xi32, #tpu.memory_space<hbm>>
    %dma_wait3A_634 = tpu.memref_slice %dma_wait3A_633[%mul3A_2] : memref<16384xi32, #tpu.memory_space<hbm>> -> memref<512xi32, #tpu.memory_space<hbm>>
    tpu.wait_dma2 semaphore(%arg11 : memref<!tpu.dma_semaphore, #tpu.memory_space<semaphore_mem>>) src(%dma_wait3A_634 : memref<512xi32, #tpu.memory_space<hbm>>) dst(%dma_wait3A_630 : memref<512xi32, #tpu.memory_space<vmem>>)
    %dma_wait3A_635 = arith.constant 22 : i32
    %dma_wait3A_636 = arith.constant 11264 : i32
    %dma_wait3A_637 = tpu.memref_slice %arg6[%dma_wait3A_636] : memref<13312xi32, #tpu.memory_space<vmem>> -> memref<512xi32, #tpu.memory_space<vmem>>
    %dma_wait3A_638 = arith.constant 0 : i32
    %dma_wait3A_639 = tpu.memref_slice %arg2[%dma_wait3A_635, %dma_wait3A_638] : memref<26x16384xi32, #tpu.memory_space<hbm>> -> memref<1x16384xi32, #tpu.memory_space<hbm>>
    %dma_wait3A_640 = tpu.memref_squeeze %dma_wait3A_639 : memref<1x16384xi32, #tpu.memory_space<hbm>> -> memref<16384xi32, #tpu.memory_space<hbm>>
    %dma_wait3A_641 = tpu.memref_slice %dma_wait3A_640[%mul3A_2] : memref<16384xi32, #tpu.memory_space<hbm>> -> memref<512xi32, #tpu.memory_space<hbm>>
    %dma_wait3A_642 = arith.constant 11264 : i32
    %dma_wait3A_643 = tpu.memref_slice %arg6[%dma_wait3A_642] : memref<13312xi32, #tpu.memory_space<vmem>> -> memref<512xi32, #tpu.memory_space<vmem>>
    %dma_wait3A_644 = arith.constant 0 : i32
    %dma_wait3A_645 = tpu.memref_slice %arg2[%dma_wait3A_635, %dma_wait3A_644] : memref<26x16384xi32, #tpu.memory_space<hbm>> -> memref<1x16384xi32, #tpu.memory_space<hbm>>
    %dma_wait3A_646 = tpu.memref_squeeze %dma_wait3A_645 : memref<1x16384xi32, #tpu.memory_space<hbm>> -> memref<16384xi32, #tpu.memory_space<hbm>>
    %dma_wait3A_647 = tpu.memref_slice %dma_wait3A_646[%mul3A_2] : memref<16384xi32, #tpu.memory_space<hbm>> -> memref<512xi32, #tpu.memory_space<hbm>>
    tpu.wait_dma2 semaphore(%arg11 : memref<!tpu.dma_semaphore, #tpu.memory_space<semaphore_mem>>) src(%dma_wait3A_647 : memref<512xi32, #tpu.memory_space<hbm>>) dst(%dma_wait3A_643 : memref<512xi32, #tpu.memory_space<vmem>>)
    %dma_wait3A_648 = arith.constant 23 : i32
    %dma_wait3A_649 = arith.constant 11776 : i32
    %dma_wait3A_650 = tpu.memref_slice %arg6[%dma_wait3A_649] : memref<13312xi32, #tpu.memory_space<vmem>> -> memref<512xi32, #tpu.memory_space<vmem>>
    %dma_wait3A_651 = arith.constant 0 : i32
    %dma_wait3A_652 = tpu.memref_slice %arg2[%dma_wait3A_648, %dma_wait3A_651] : memref<26x16384xi32, #tpu.memory_space<hbm>> -> memref<1x16384xi32, #tpu.memory_space<hbm>>
    %dma_wait3A_653 = tpu.memref_squeeze %dma_wait3A_652 : memref<1x16384xi32, #tpu.memory_space<hbm>> -> memref<16384xi32, #tpu.memory_space<hbm>>
    %dma_wait3A_654 = tpu.memref_slice %dma_wait3A_653[%mul3A_2] : memref<16384xi32, #tpu.memory_space<hbm>> -> memref<512xi32, #tpu.memory_space<hbm>>
    %dma_wait3A_655 = arith.constant 11776 : i32
    %dma_wait3A_656 = tpu.memref_slice %arg6[%dma_wait3A_655] : memref<13312xi32, #tpu.memory_space<vmem>> -> memref<512xi32, #tpu.memory_space<vmem>>
    %dma_wait3A_657 = arith.constant 0 : i32
    %dma_wait3A_658 = tpu.memref_slice %arg2[%dma_wait3A_648, %dma_wait3A_657] : memref<26x16384xi32, #tpu.memory_space<hbm>> -> memref<1x16384xi32, #tpu.memory_space<hbm>>
    %dma_wait3A_659 = tpu.memref_squeeze %dma_wait3A_658 : memref<1x16384xi32, #tpu.memory_space<hbm>> -> memref<16384xi32, #tpu.memory_space<hbm>>
    %dma_wait3A_660 = tpu.memref_slice %dma_wait3A_659[%mul3A_2] : memref<16384xi32, #tpu.memory_space<hbm>> -> memref<512xi32, #tpu.memory_space<hbm>>
    tpu.wait_dma2 semaphore(%arg11 : memref<!tpu.dma_semaphore, #tpu.memory_space<semaphore_mem>>) src(%dma_wait3A_660 : memref<512xi32, #tpu.memory_space<hbm>>) dst(%dma_wait3A_656 : memref<512xi32, #tpu.memory_space<vmem>>)
    %dma_wait3A_661 = arith.constant 24 : i32
    %dma_wait3A_662 = arith.constant 12288 : i32
    %dma_wait3A_663 = tpu.memref_slice %arg6[%dma_wait3A_662] : memref<13312xi32, #tpu.memory_space<vmem>> -> memref<512xi32, #tpu.memory_space<vmem>>
    %dma_wait3A_664 = arith.constant 0 : i32
    %dma_wait3A_665 = tpu.memref_slice %arg2[%dma_wait3A_661, %dma_wait3A_664] : memref<26x16384xi32, #tpu.memory_space<hbm>> -> memref<1x16384xi32, #tpu.memory_space<hbm>>
    %dma_wait3A_666 = tpu.memref_squeeze %dma_wait3A_665 : memref<1x16384xi32, #tpu.memory_space<hbm>> -> memref<16384xi32, #tpu.memory_space<hbm>>
    %dma_wait3A_667 = tpu.memref_slice %dma_wait3A_666[%mul3A_2] : memref<16384xi32, #tpu.memory_space<hbm>> -> memref<512xi32, #tpu.memory_space<hbm>>
    %dma_wait3A_668 = arith.constant 12288 : i32
    %dma_wait3A_669 = tpu.memref_slice %arg6[%dma_wait3A_668] : memref<13312xi32, #tpu.memory_space<vmem>> -> memref<512xi32, #tpu.memory_space<vmem>>
    %dma_wait3A_670 = arith.constant 0 : i32
    %dma_wait3A_671 = tpu.memref_slice %arg2[%dma_wait3A_661, %dma_wait3A_670] : memref<26x16384xi32, #tpu.memory_space<hbm>> -> memref<1x16384xi32, #tpu.memory_space<hbm>>
    %dma_wait3A_672 = tpu.memref_squeeze %dma_wait3A_671 : memref<1x16384xi32, #tpu.memory_space<hbm>> -> memref<16384xi32, #tpu.memory_space<hbm>>
    %dma_wait3A_673 = tpu.memref_slice %dma_wait3A_672[%mul3A_2] : memref<16384xi32, #tpu.memory_space<hbm>> -> memref<512xi32, #tpu.memory_space<hbm>>
    tpu.wait_dma2 semaphore(%arg11 : memref<!tpu.dma_semaphore, #tpu.memory_space<semaphore_mem>>) src(%dma_wait3A_673 : memref<512xi32, #tpu.memory_space<hbm>>) dst(%dma_wait3A_669 : memref<512xi32, #tpu.memory_space<vmem>>)
    %dma_wait3A_674 = arith.constant 25 : i32
    %dma_wait3A_675 = arith.constant 12800 : i32
    %dma_wait3A_676 = tpu.memref_slice %arg6[%dma_wait3A_675] : memref<13312xi32, #tpu.memory_space<vmem>> -> memref<512xi32, #tpu.memory_space<vmem>>
    %dma_wait3A_677 = arith.constant 0 : i32
    %dma_wait3A_678 = tpu.memref_slice %arg2[%dma_wait3A_674, %dma_wait3A_677] : memref<26x16384xi32, #tpu.memory_space<hbm>> -> memref<1x16384xi32, #tpu.memory_space<hbm>>
    %dma_wait3A_679 = tpu.memref_squeeze %dma_wait3A_678 : memref<1x16384xi32, #tpu.memory_space<hbm>> -> memref<16384xi32, #tpu.memory_space<hbm>>
    %dma_wait3A_680 = tpu.memref_slice %dma_wait3A_679[%mul3A_2] : memref<16384xi32, #tpu.memory_space<hbm>> -> memref<512xi32, #tpu.memory_space<hbm>>
    %dma_wait3A_681 = arith.constant 12800 : i32
    %dma_wait3A_682 = tpu.memref_slice %arg6[%dma_wait3A_681] : memref<13312xi32, #tpu.memory_space<vmem>> -> memref<512xi32, #tpu.memory_space<vmem>>
    %dma_wait3A_683 = arith.constant 0 : i32
    %dma_wait3A_684 = tpu.memref_slice %arg2[%dma_wait3A_674, %dma_wait3A_683] : memref<26x16384xi32, #tpu.memory_space<hbm>> -> memref<1x16384xi32, #tpu.memory_space<hbm>>
    %dma_wait3A_685 = tpu.memref_squeeze %dma_wait3A_684 : memref<1x16384xi32, #tpu.memory_space<hbm>> -> memref<16384xi32, #tpu.memory_space<hbm>>
    %dma_wait3A_686 = tpu.memref_slice %dma_wait3A_685[%mul3A_2] : memref<16384xi32, #tpu.memory_space<hbm>> -> memref<512xi32, #tpu.memory_space<hbm>>
    tpu.wait_dma2 semaphore(%arg11 : memref<!tpu.dma_semaphore, #tpu.memory_space<semaphore_mem>>) src(%dma_wait3A_686 : memref<512xi32, #tpu.memory_space<hbm>>) dst(%dma_wait3A_682 : memref<512xi32, #tpu.memory_space<vmem>>)
    %dma_start3A_687 = arith.constant 0 : i32
    %dma_start3A_688 = arith.constant 6656 : i32
    %dma_start3A_689 = tpu.memref_slice %arg7[%dma_start3A_688] : memref<13312xf32, #tpu.memory_space<vmem>> -> memref<6656xf32, #tpu.memory_space<vmem>>
    %dma_start3A_690 = arith.constant 6656 : i32
    %dma_start3A_691 = tpu.memref_slice %arg6[%dma_start3A_690] : memref<13312xi32, #tpu.memory_space<vmem>> -> memref<6656xi32, #tpu.memory_space<vmem>>
    %dma_start3A_692 = arith.constant 0 : i32
    %dma_start3A_693 = tpu.memref_slice %arg3[%dma_start3A_687, %dma_start3A_692] : memref<1x1000000xf32, #tpu.memory_space<hbm>> -> memref<1x1000000xf32, #tpu.memory_space<hbm>>
    %dma_start3A_694 = tpu.memref_squeeze %dma_start3A_693 : memref<1x1000000xf32, #tpu.memory_space<hbm>> -> memref<1000000xf32, #tpu.memory_space<hbm>>
    %dma_start3A_695 = arith.constant 0 : i32
    %dma_start3A_696 = tpu.memref_slice %dma_start3A_694[%dma_start3A_695] : memref<1000000xf32, #tpu.memory_space<hbm>> -> memref<1000000xf32, #tpu.memory_space<hbm>>
    tpu.enqueue_indirect_dma source(%dma_start3A_696 : memref<1000000xf32, #tpu.memory_space<hbm>>) target(%dma_start3A_689 : memref<6656xf32, #tpu.memory_space<vmem>>) offsets(%dma_start3A_691 : memref<6656xi32, #tpu.memory_space<vmem>>) semaphore(%arg11 : memref<!tpu.dma_semaphore, #tpu.memory_space<semaphore_mem>>)
    %dma_wait3A_697 = arith.constant 0 : i32
    %dma_wait3A_698 = arith.constant 0 : i32
    %dma_wait3A_699 = tpu.memref_slice %arg7[%dma_wait3A_698] : memref<13312xf32, #tpu.memory_space<vmem>> -> memref<6656xf32, #tpu.memory_space<vmem>>
    %dma_wait3A_700 = arith.constant 0 : i32
    %dma_wait3A_701 = tpu.memref_slice %arg6[%dma_wait3A_700] : memref<13312xi32, #tpu.memory_space<vmem>> -> memref<6656xi32, #tpu.memory_space<vmem>>
    %dma_wait3A_702 = arith.constant 0 : i32
    %dma_wait3A_703 = tpu.memref_slice %arg3[%dma_wait3A_697, %dma_wait3A_702] : memref<1x1000000xf32, #tpu.memory_space<hbm>> -> memref<1x1000000xf32, #tpu.memory_space<hbm>>
    %dma_wait3A_704 = tpu.memref_squeeze %dma_wait3A_703 : memref<1x1000000xf32, #tpu.memory_space<hbm>> -> memref<1000000xf32, #tpu.memory_space<hbm>>
    %dma_wait3A_705 = arith.constant 0 : i32
    %dma_wait3A_706 = tpu.memref_slice %dma_wait3A_704[%dma_wait3A_705] : memref<1000000xf32, #tpu.memory_space<hbm>> -> memref<1000000xf32, #tpu.memory_space<hbm>>
    tpu.wait_indirect_dma semaphore(%arg12 : memref<!tpu.dma_semaphore, #tpu.memory_space<semaphore_mem>>) src(%dma_wait3A_706 : memref<1000000xf32, #tpu.memory_space<hbm>>) dst(%dma_wait3A_699 : memref<6656xf32, #tpu.memory_space<vmem>>)
    %scan3A = arith.constant 0 : i32
    %scan3A_707 = arith.constant 0 : i32
    %scan3A_708 = arith.constant 32 : i32
    %scan3A_709 = arith.addi %scan3A_707, %scan3A_708 : i32
    %scan3A_710 = arith.constant 1 : i32
    %scan3A_711 = scf.for %scan3A_734 = %scan3A_707 to %scan3A_709 step %scan3A_710 iter_args(%scan3A_735 = %scan3A) -> (i32)  : i32 {
      %mul3A_736 = arith.constant 16 : i32
      %mul3A_737 = arith.muli %scan3A_734, %mul3A_736 : i32
      %broadcast_in_dim3A = arith.constant 0.000000e+00 : f32
      %broadcast_in_dim3A_738 = vector.broadcast %broadcast_in_dim3A : f32 to vector<16xf32>
      %add3A_739 = arith.constant 0 : i32
      %add3A_740 = arith.addi %add3A_739, %mul3A_737 : i32
      %get3A_741 = arith.index_cast %add3A_740 : i32 to index
      %get3A_742 = tpu.vector_load %arg7[%get3A_741] {strides = array<i32>} : memref<13312xf32, #tpu.memory_space<vmem>>, vector<16xf32>,
      %get3A_743 = vector.shape_cast %get3A_742 : vector<16xf32> to vector<16xf32>
      %add3A_744 = arith.addf %broadcast_in_dim3A_738, %get3A_743 : vector<16xf32>
      %add3A_745 = arith.constant 512 : i32
      %add3A_746 = arith.addi %add3A_745, %mul3A_737 : i32
      %get3A_747 = arith.index_cast %add3A_746 : i32 to index
      %get3A_748 = tpu.vector_load %arg7[%get3A_747] {strides = array<i32>} : memref<13312xf32, #tpu.memory_space<vmem>>, vector<16xf32>,
      %get3A_749 = vector.shape_cast %get3A_748 : vector<16xf32> to vector<16xf32>
      %add3A_750 = arith.addf %add3A_744, %get3A_749 : vector<16xf32>
      %add3A_751 = arith.constant 1024 : i32
      %add3A_752 = arith.addi %add3A_751, %mul3A_737 : i32
      %get3A_753 = arith.index_cast %add3A_752 : i32 to index
      %get3A_754 = tpu.vector_load %arg7[%get3A_753] {strides = array<i32>} : memref<13312xf32, #tpu.memory_space<vmem>>, vector<16xf32>,
      %get3A_755 = vector.shape_cast %get3A_754 : vector<16xf32> to vector<16xf32>
      %add3A_756 = arith.addf %add3A_750, %get3A_755 : vector<16xf32>
      %add3A_757 = arith.constant 1536 : i32
      %add3A_758 = arith.addi %add3A_757, %mul3A_737 : i32
      %get3A_759 = arith.index_cast %add3A_758 : i32 to index
      %get3A_760 = tpu.vector_load %arg7[%get3A_759] {strides = array<i32>} : memref<13312xf32, #tpu.memory_space<vmem>>, vector<16xf32>,
      %get3A_761 = vector.shape_cast %get3A_760 : vector<16xf32> to vector<16xf32>
      %add3A_762 = arith.addf %add3A_756, %get3A_761 : vector<16xf32>
      %add3A_763 = arith.constant 2048 : i32
      %add3A_764 = arith.addi %add3A_763, %mul3A_737 : i32
      %get3A_765 = arith.index_cast %add3A_764 : i32 to index
      %get3A_766 = tpu.vector_load %arg7[%get3A_765] {strides = array<i32>} : memref<13312xf32, #tpu.memory_space<vmem>>, vector<16xf32>,
      %get3A_767 = vector.shape_cast %get3A_766 : vector<16xf32> to vector<16xf32>
      %add3A_768 = arith.addf %add3A_762, %get3A_767 : vector<16xf32>
      %add3A_769 = arith.constant 2560 : i32
      %add3A_770 = arith.addi %add3A_769, %mul3A_737 : i32
      %get3A_771 = arith.index_cast %add3A_770 : i32 to index
      %get3A_772 = tpu.vector_load %arg7[%get3A_771] {strides = array<i32>} : memref<13312xf32, #tpu.memory_space<vmem>>, vector<16xf32>,
      %get3A_773 = vector.shape_cast %get3A_772 : vector<16xf32> to vector<16xf32>
      %add3A_774 = arith.addf %add3A_768, %get3A_773 : vector<16xf32>
      %add3A_775 = arith.constant 3072 : i32
      %add3A_776 = arith.addi %add3A_775, %mul3A_737 : i32
      %get3A_777 = arith.index_cast %add3A_776 : i32 to index
      %get3A_778 = tpu.vector_load %arg7[%get3A_777] {strides = array<i32>} : memref<13312xf32, #tpu.memory_space<vmem>>, vector<16xf32>,
      %get3A_779 = vector.shape_cast %get3A_778 : vector<16xf32> to vector<16xf32>
      %add3A_780 = arith.addf %add3A_774, %get3A_779 : vector<16xf32>
      %add3A_781 = arith.constant 3584 : i32
      %add3A_782 = arith.addi %add3A_781, %mul3A_737 : i32
      %get3A_783 = arith.index_cast %add3A_782 : i32 to index
      %get3A_784 = tpu.vector_load %arg7[%get3A_783] {strides = array<i32>} : memref<13312xf32, #tpu.memory_space<vmem>>, vector<16xf32>,
      %get3A_785 = vector.shape_cast %get3A_784 : vector<16xf32> to vector<16xf32>
      %add3A_786 = arith.addf %add3A_780, %get3A_785 : vector<16xf32>
      %add3A_787 = arith.constant 4096 : i32
      %add3A_788 = arith.addi %add3A_787, %mul3A_737 : i32
      %get3A_789 = arith.index_cast %add3A_788 : i32 to index
      %get3A_790 = tpu.vector_load %arg7[%get3A_789] {strides = array<i32>} : memref<13312xf32, #tpu.memory_space<vmem>>, vector<16xf32>,
      %get3A_791 = vector.shape_cast %get3A_790 : vector<16xf32> to vector<16xf32>
      %add3A_792 = arith.addf %add3A_786, %get3A_791 : vector<16xf32>
      %add3A_793 = arith.constant 4608 : i32
      %add3A_794 = arith.addi %add3A_793, %mul3A_737 : i32
      %get3A_795 = arith.index_cast %add3A_794 : i32 to index
      %get3A_796 = tpu.vector_load %arg7[%get3A_795] {strides = array<i32>} : memref<13312xf32, #tpu.memory_space<vmem>>, vector<16xf32>,
      %get3A_797 = vector.shape_cast %get3A_796 : vector<16xf32> to vector<16xf32>
      %add3A_798 = arith.addf %add3A_792, %get3A_797 : vector<16xf32>
      %add3A_799 = arith.constant 5120 : i32
      %add3A_800 = arith.addi %add3A_799, %mul3A_737 : i32
      %get3A_801 = arith.index_cast %add3A_800 : i32 to index
      %get3A_802 = tpu.vector_load %arg7[%get3A_801] {strides = array<i32>} : memref<13312xf32, #tpu.memory_space<vmem>>, vector<16xf32>,
      %get3A_803 = vector.shape_cast %get3A_802 : vector<16xf32> to vector<16xf32>
      %add3A_804 = arith.addf %add3A_798, %get3A_803 : vector<16xf32>
      %add3A_805 = arith.constant 5632 : i32
      %add3A_806 = arith.addi %add3A_805, %mul3A_737 : i32
      %get3A_807 = arith.index_cast %add3A_806 : i32 to index
      %get3A_808 = tpu.vector_load %arg7[%get3A_807] {strides = array<i32>} : memref<13312xf32, #tpu.memory_space<vmem>>, vector<16xf32>,
      %get3A_809 = vector.shape_cast %get3A_808 : vector<16xf32> to vector<16xf32>
      %add3A_810 = arith.addf %add3A_804, %get3A_809 : vector<16xf32>
      %add3A_811 = arith.constant 6144 : i32
      %add3A_812 = arith.addi %add3A_811, %mul3A_737 : i32
      %get3A_813 = arith.index_cast %add3A_812 : i32 to index
      %get3A_814 = tpu.vector_load %arg7[%get3A_813] {strides = array<i32>} : memref<13312xf32, #tpu.memory_space<vmem>>, vector<16xf32>,
      %get3A_815 = vector.shape_cast %get3A_814 : vector<16xf32> to vector<16xf32>
      %add3A_816 = arith.addf %add3A_810, %get3A_815 : vector<16xf32>
      %swap3A = arith.index_cast %mul3A_737 : i32 to index
      %swap3A_817 = tpu.vector_load %arg9[%swap3A] {strides = array<i32>} : memref<512xf32, #tpu.memory_space<vmem>>, vector<16xf32>,
      %swap3A_818 = vector.shape_cast %swap3A_817 : vector<16xf32> to vector<16xf32>
      %swap3A_819 = vector.shape_cast %add3A_816 : vector<16xf32> to vector<16xf32>
      tpu.vector_store %arg9[%swap3A], %swap3A_819 {strides = array<i32>} : memref<512xf32, #tpu.memory_space<vmem>>, vector<16xf32>,
      %scan3A_820 = arith.constant 0 : i32
      scf.yield %scan3A_820 : i32
    }
    %scan3A_712 = arith.constant 32 : i32
    %dma_wait3A_713 = arith.constant 0 : i32
    %dma_wait3A_714 = arith.constant 6656 : i32
    %dma_wait3A_715 = tpu.memref_slice %arg7[%dma_wait3A_714] : memref<13312xf32, #tpu.memory_space<vmem>> -> memref<6656xf32, #tpu.memory_space<vmem>>
    %dma_wait3A_716 = arith.constant 6656 : i32
    %dma_wait3A_717 = tpu.memref_slice %arg6[%dma_wait3A_716] : memref<13312xi32, #tpu.memory_space<vmem>> -> memref<6656xi32, #tpu.memory_space<vmem>>
    %dma_wait3A_718 = arith.constant 0 : i32
    %dma_wait3A_719 = tpu.memref_slice %arg3[%dma_wait3A_713, %dma_wait3A_718] : memref<1x1000000xf32, #tpu.memory_space<hbm>> -> memref<1x1000000xf32, #tpu.memory_space<hbm>>
    %dma_wait3A_720 = tpu.memref_squeeze %dma_wait3A_719 : memref<1x1000000xf32, #tpu.memory_space<hbm>> -> memref<1000000xf32, #tpu.memory_space<hbm>>
    %dma_wait3A_721 = arith.constant 0 : i32
    %dma_wait3A_722 = tpu.memref_slice %dma_wait3A_720[%dma_wait3A_721] : memref<1000000xf32, #tpu.memory_space<hbm>> -> memref<1000000xf32, #tpu.memory_space<hbm>>
    tpu.wait_indirect_dma semaphore(%arg11 : memref<!tpu.dma_semaphore, #tpu.memory_space<semaphore_mem>>) src(%dma_wait3A_722 : memref<1000000xf32, #tpu.memory_space<hbm>>) dst(%dma_wait3A_715 : memref<6656xf32, #tpu.memory_space<vmem>>)
    %get3A = arith.constant 0 : index
    %get3A_723 = tpu.vector_load %arg8[%get3A] {strides = array<i32>} : memref<16xf32, #tpu.memory_space<vmem>>, vector<16xf32>,
    %get3A_724 = vector.shape_cast %get3A_723 : vector<16xf32> to vector<16xf32>
    %scan3A_725 = arith.constant 0 : i32
    %scan3A_726 = arith.constant 0 : i32
    %scan3A_727 = arith.constant 32 : i32
    %scan3A_728 = arith.addi %scan3A_726, %scan3A_727 : i32
    %scan3A_729 = arith.constant 1 : i32
    %scan3A_730 = scf.for %scan3A_734 = %scan3A_726 to %scan3A_728 step %scan3A_729 iter_args(%scan3A_735 = %scan3A_725) -> (i32)  : i32 {
      %mul3A_736 = arith.constant 16 : i32
      %mul3A_737 = arith.muli %scan3A_734, %mul3A_736 : i32
      %get3A_738 = arith.index_cast %mul3A_737 : i32 to index
      %get3A_739 = tpu.vector_load %arg9[%get3A_738] {strides = array<i32>} : memref<512xf32, #tpu.memory_space<vmem>>, vector<16xf32>,
      %get3A_740 = vector.shape_cast %get3A_739 : vector<16xf32> to vector<16xf32>
      %add3A_741 = arith.constant 6656 : i32
      %add3A_742 = arith.addi %add3A_741, %mul3A_737 : i32
      %get3A_743 = arith.index_cast %add3A_742 : i32 to index
      %get3A_744 = tpu.vector_load %arg7[%get3A_743] {strides = array<i32>} : memref<13312xf32, #tpu.memory_space<vmem>>, vector<16xf32>,
      %get3A_745 = vector.shape_cast %get3A_744 : vector<16xf32> to vector<16xf32>
      %add3A_746 = arith.addf %get3A_740, %get3A_745 : vector<16xf32>
      %add3A_747 = arith.constant 7168 : i32
      %add3A_748 = arith.addi %add3A_747, %mul3A_737 : i32
      %get3A_749 = arith.index_cast %add3A_748 : i32 to index
      %get3A_750 = tpu.vector_load %arg7[%get3A_749] {strides = array<i32>} : memref<13312xf32, #tpu.memory_space<vmem>>, vector<16xf32>,
      %get3A_751 = vector.shape_cast %get3A_750 : vector<16xf32> to vector<16xf32>
      %add3A_752 = arith.addf %add3A_746, %get3A_751 : vector<16xf32>
      %add3A_753 = arith.constant 7680 : i32
      %add3A_754 = arith.addi %add3A_753, %mul3A_737 : i32
      %get3A_755 = arith.index_cast %add3A_754 : i32 to index
      %get3A_756 = tpu.vector_load %arg7[%get3A_755] {strides = array<i32>} : memref<13312xf32, #tpu.memory_space<vmem>>, vector<16xf32>,
      %get3A_757 = vector.shape_cast %get3A_756 : vector<16xf32> to vector<16xf32>
      %add3A_758 = arith.addf %add3A_752, %get3A_757 : vector<16xf32>
      %add3A_759 = arith.constant 8192 : i32
      %add3A_760 = arith.addi %add3A_759, %mul3A_737 : i32
      %get3A_761 = arith.index_cast %add3A_760 : i32 to index
      %get3A_762 = tpu.vector_load %arg7[%get3A_761] {strides = array<i32>} : memref<13312xf32, #tpu.memory_space<vmem>>, vector<16xf32>,
      %get3A_763 = vector.shape_cast %get3A_762 : vector<16xf32> to vector<16xf32>
      %add3A_764 = arith.addf %add3A_758, %get3A_763 : vector<16xf32>
      %add3A_765 = arith.constant 8704 : i32
      %add3A_766 = arith.addi %add3A_765, %mul3A_737 : i32
      %get3A_767 = arith.index_cast %add3A_766 : i32 to index
      %get3A_768 = tpu.vector_load %arg7[%get3A_767] {strides = array<i32>} : memref<13312xf32, #tpu.memory_space<vmem>>, vector<16xf32>,
      %get3A_769 = vector.shape_cast %get3A_768 : vector<16xf32> to vector<16xf32>
      %add3A_770 = arith.addf %add3A_764, %get3A_769 : vector<16xf32>
      %add3A_771 = arith.constant 9216 : i32
      %add3A_772 = arith.addi %add3A_771, %mul3A_737 : i32
      %get3A_773 = arith.index_cast %add3A_772 : i32 to index
      %get3A_774 = tpu.vector_load %arg7[%get3A_773] {strides = array<i32>} : memref<13312xf32, #tpu.memory_space<vmem>>, vector<16xf32>,
      %get3A_775 = vector.shape_cast %get3A_774 : vector<16xf32> to vector<16xf32>
      %add3A_776 = arith.addf %add3A_770, %get3A_775 : vector<16xf32>
      %add3A_777 = arith.constant 9728 : i32
      %add3A_778 = arith.addi %add3A_777, %mul3A_737 : i32
      %get3A_779 = arith.index_cast %add3A_778 : i32 to index
      %get3A_780 = tpu.vector_load %arg7[%get3A_779] {strides = array<i32>} : memref<13312xf32, #tpu.memory_space<vmem>>, vector<16xf32>,
      %get3A_781 = vector.shape_cast %get3A_780 : vector<16xf32> to vector<16xf32>
      %add3A_782 = arith.addf %add3A_776, %get3A_781 : vector<16xf32>
      %add3A_783 = arith.constant 10240 : i32
      %add3A_784 = arith.addi %add3A_783, %mul3A_737 : i32
      %get3A_785 = arith.index_cast %add3A_784 : i32 to index
      %get3A_786 = tpu.vector_load %arg7[%get3A_785] {strides = array<i32>} : memref<13312xf32, #tpu.memory_space<vmem>>, vector<16xf32>,
      %get3A_787 = vector.shape_cast %get3A_786 : vector<16xf32> to vector<16xf32>
      %add3A_788 = arith.addf %add3A_782, %get3A_787 : vector<16xf32>
      %add3A_789 = arith.constant 10752 : i32
      %add3A_790 = arith.addi %add3A_789, %mul3A_737 : i32
      %get3A_791 = arith.index_cast %add3A_790 : i32 to index
      %get3A_792 = tpu.vector_load %arg7[%get3A_791] {strides = array<i32>} : memref<13312xf32, #tpu.memory_space<vmem>>, vector<16xf32>,
      %get3A_793 = vector.shape_cast %get3A_792 : vector<16xf32> to vector<16xf32>
      %add3A_794 = arith.addf %add3A_788, %get3A_793 : vector<16xf32>
      %add3A_795 = arith.constant 11264 : i32
      %add3A_796 = arith.addi %add3A_795, %mul3A_737 : i32
      %get3A_797 = arith.index_cast %add3A_796 : i32 to index
      %get3A_798 = tpu.vector_load %arg7[%get3A_797] {strides = array<i32>} : memref<13312xf32, #tpu.memory_space<vmem>>, vector<16xf32>,
      %get3A_799 = vector.shape_cast %get3A_798 : vector<16xf32> to vector<16xf32>
      %add3A_800 = arith.addf %add3A_794, %get3A_799 : vector<16xf32>
      %add3A_801 = arith.constant 11776 : i32
      %add3A_802 = arith.addi %add3A_801, %mul3A_737 : i32
      %get3A_803 = arith.index_cast %add3A_802 : i32 to index
      %get3A_804 = tpu.vector_load %arg7[%get3A_803] {strides = array<i32>} : memref<13312xf32, #tpu.memory_space<vmem>>, vector<16xf32>,
      %get3A_805 = vector.shape_cast %get3A_804 : vector<16xf32> to vector<16xf32>
      %add3A_806 = arith.addf %add3A_800, %get3A_805 : vector<16xf32>
      %add3A_807 = arith.constant 12288 : i32
      %add3A_808 = arith.addi %add3A_807, %mul3A_737 : i32
      %get3A_809 = arith.index_cast %add3A_808 : i32 to index
      %get3A_810 = tpu.vector_load %arg7[%get3A_809] {strides = array<i32>} : memref<13312xf32, #tpu.memory_space<vmem>>, vector<16xf32>,
      %get3A_811 = vector.shape_cast %get3A_810 : vector<16xf32> to vector<16xf32>
      %add3A_812 = arith.addf %add3A_806, %get3A_811 : vector<16xf32>
      %add3A_813 = arith.constant 12800 : i32
      %add3A_814 = arith.addi %add3A_813, %mul3A_737 : i32
      %get3A_815 = arith.index_cast %add3A_814 : i32 to index
      %get3A_816 = tpu.vector_load %arg7[%get3A_815] {strides = array<i32>} : memref<13312xf32, #tpu.memory_space<vmem>>, vector<16xf32>,
      %get3A_817 = vector.shape_cast %get3A_816 : vector<16xf32> to vector<16xf32>
      %add3A_818 = arith.addf %add3A_812, %get3A_817 : vector<16xf32>
      %add3A_819 = arith.addf %add3A_818, %get3A_724 : vector<16xf32>
      %mul3A_820 = arith.constant 2.000000e+00 : f32
      %mul3A_821 = vector.broadcast %mul3A_820 : f32 to vector<16xf32>
      %mul3A_822 = arith.mulf %add3A_819, %mul3A_821 : vector<16xf32>
      %neg3A = arith.constant 0.000000e+00 : f32
      %neg3A_823 = vector.broadcast %neg3A : f32 to vector<16xf32>
      %neg3A_824 = arith.subf %neg3A_823, %mul3A_822 : vector<16xf32>
      %exp3A = math.exp %neg3A_824 : vector<16xf32>
      %add3A_825 = arith.constant 1.000000e+00 : f32
      %add3A_826 = vector.broadcast %add3A_825 : f32 to vector<16xf32>
      %add3A_827 = arith.addf %add3A_826, %exp3A : vector<16xf32>
      %div3A = arith.constant 1.000000e+00 : f32
      %div3A_828 = vector.broadcast %div3A : f32 to vector<16xf32>
      %div3A_829 = arith.divf %div3A_828, %add3A_827 : vector<16xf32>
      %swap3A = arith.index_cast %mul3A_737 : i32 to index
      %swap3A_830 = tpu.vector_load %arg9[%swap3A] {strides = array<i32>} : memref<512xf32, #tpu.memory_space<vmem>>, vector<16xf32>,
      %swap3A_831 = vector.shape_cast %swap3A_830 : vector<16xf32> to vector<16xf32>
      %swap3A_832 = vector.shape_cast %div3A_829 : vector<16xf32> to vector<16xf32>
      tpu.vector_store %arg9[%swap3A], %swap3A_832 {strides = array<i32>} : memref<512xf32, #tpu.memory_space<vmem>>, vector<16xf32>,
      %scan3A_833 = arith.constant 0 : i32
      scf.yield %scan3A_833 : i32
    }
    %scan3A_731 = arith.constant 32 : i32
    %mul3A_732 = arith.constant 512 : i32
    %mul3A_733 = arith.muli %add3A, %mul3A_732 : i32
    "tpu.region"() ({
      %run_scoped3A = tpu.sem_alloc : memref<!tpu.dma_semaphore, #tpu.memory_space<semaphore_mem>>
      %dma_start3A_734 = tpu.memref_slice %arg5[%mul3A_733] : memref<16384xf32, #tpu.memory_space<hbm>> -> memref<512xf32, #tpu.memory_space<hbm>>
      %dma_start3A_735 = tpu.memref_slice %arg5[%mul3A_733] : memref<16384xf32, #tpu.memory_space<hbm>> -> memref<512xf32, #tpu.memory_space<hbm>>
      tpu.enqueue_dma source(%arg9 : memref<512xf32, #tpu.memory_space<vmem>>) target(%dma_start3A_735 : memref<512xf32, #tpu.memory_space<hbm>>) target_semaphore(%run_scoped3A : memref<!tpu.dma_semaphore, #tpu.memory_space<semaphore_mem>>)
      %dma_wait3A_736 = tpu.memref_slice %arg5[%mul3A_733] : memref<16384xf32, #tpu.memory_space<hbm>> -> memref<512xf32, #tpu.memory_space<hbm>>
      %dma_wait3A_737 = tpu.memref_slice %arg5[%mul3A_733] : memref<16384xf32, #tpu.memory_space<hbm>> -> memref<512xf32, #tpu.memory_space<hbm>>
      tpu.wait_dma2 semaphore(%run_scoped3A : memref<!tpu.dma_semaphore, #tpu.memory_space<semaphore_mem>>) src(%arg9 : memref<512xf32, #tpu.memory_space<vmem>>) dst(%dma_wait3A_737 : memref<512xf32, #tpu.memory_space<hbm>>)
      tpu.yield
    }) : () -> ()
    return
  }
}

</mosaic_0001>

<sc_bundles>
// kernel: _run.3.cloned.1.call-start
scs
__scs_entry_jumppad:
0x0: {  	(pc) =	sbr.rel $0x88, $3  }
0x1: {  	(tag) =	ssettag $0x0;
	lr =	simm.s32 $0x1  }
0x2: {  	[smem:$0x3F9E] =	sst lr;
	_ =	strace $0xD0000000  }
0x3: {  	_ = 	snop  }
0x4: {  	_ = 	snop  }
0x5: {  	_ = 	snop  }
0x6: {  	_ = 	snop  }
0x7: {  	_ = 	snop  }
__scs_overlays_trampoline_lowered:
0x8: {  	[smem:$0x3FAD] =	sst s0  }
0x9: {  	[smem:$0x3FAE] =	sst s1  }
0xa: {  	[smem:$0x3FAF] =	sst s2  }
0xb: {  	[smem:$0x3FB0] =	sst s3  }
0xc: {  	[smem:$0x3FB1] =	sst s4  }
0xd: {  	[smem:$0x3FB2] =	sst s5  }
0xe: {  	[smem:$0x3FB3] =	sst s6  }
0xf: {  	[smem:$0x3FB4] =	sst s7  }
0x10: {  	[smem:$0x3FB5] =	sst s8  }
0x11: {  	[smem:$0x3FB6] =	sst s9;
	s0 =	simm.s32 @!p0 $0x0  }
0x12: {  	s1 =	sld [smem:$0x3F9C];
	s0 =	simm.s32 @p0 $0x1  }
0x13: {  	[smem:$0x3FB7] =	sst s0;
	s0 =	simm.s32 @!p1 $0x0  }
0x14: {  	s2 =	sld [smem:$0x3F9B];
	s0 =	simm.s32 @p1 $0x1  }
0x15: {  	[smem:$0x3FB8] =	sst s0;
	s0 =	simm.s32 @!p2 $0x0  }
0x16: {  	s3 =	sld [smem:$0x3FDB];
	s0 =	simm.s32 @p2 $0x1  }
0x17: {  	s4 =	simm.s32 $0x1BF5;
	[smem:$0x3FBA] =	sst s0  }
0x18: {  	s0 =	sld [smem:$0x3F9D];
	_ =	swait.ge [sflag:s4], $0x0  }
0x19: {  	s7 =	sld [smem:$0x3F9E]  }
0x1a: {  	s8 =	sadd.s32 $0xFFFFE003, lr  }
0x1b: {  	s9 =	sadd.s32 $0xFFFFFEF7, lr;
	s5 =	simm.s32 $0xFFFFFFFF;
	p2 =	slt.u32 s8, $0xFFFFF086  }
0x1c: {  	p1 =	slt.u32 s9, $0xF7A;
	s5 =	simm.s32 @!p2 $0x0  }
0x1d: {  	s5 =	simm.s32 @p1 $0x1;
	p0 =	seq.s32 s7, s2  }
0x1e: {  	s7 =	smul.u32 @!p0 $0xF7A, s2;
	p2 =	seq.s32 @!p0 s5, $0x0  }
0x1f: {  	s9 =	smul.u32 $0xF7A, s1;
	s8 =	simm.s32 @!p0 $0x1BF5;
	p2 =	por !p2, p0  }
0x20: {  	[sflag:s8] =	ssyncset.s32 @!p0 $0xFFFFF086;
	s6 =	sadd.s32 @!p0 s3, s7;
	s7 =	simm.s32 @!p0 $0x108  }
0x21: {  	s3 =	sadd.s32 s3, s9;
	s6 =	sadd.s32 @!p0 $0x88, s6;
	s7 =	simm.s32 @p2 $0x1082  }
0x22: {  	[simem:s7], [sflag:s8] =	dma.local @!p0 [hbm:s6], $0xF7A  }
0x23: {  	s9 =	sor.u32 $0xD0000000, s2;
	s6 =	simm.s32 $0x108;
	_ =	swait.ge @!p0 [sflag:s8], $0x0  }
0x24: {  	s3 =	sadd.s32 $0x88, s3;
	s6 =	simm.s32 @!p1 $0x1082;
	[sflag:s4] =	ssyncset.s32 $0xFFFFF086  }
0x25: {  	[simem:s6], [sflag:s4] =	dma.local [hbm:s3], $0xF7A  }
0x26: {  	[smem:$0x3F9E] =	sst s1;
	(tag) =	ssettag s2;
	_ =	strace s9  }
0x27: {  	s1 =	sld [smem:$0x3FAE]  }
0x28: {  	s2 =	sld [smem:$0x3FAF]  }
0x29: {  	s4 =	sld [smem:$0x3FB1]  }
0x2a: {  	p0 =	seq.s32 s5, $0x0;
	s5 =	sld [smem:$0x3FB2]  }
0x2b: {  	s6 =	sld [smem:$0x3FB3]  }
0x2c: {  	s7 =	sld [smem:$0x3FB4]  }
0x2d: {  	s3 =	simm.s32 $0x108;
	s8 =	sld [smem:$0x3FB5]  }
0x2e: {  	s3 =	simm.s32 @!p0 $0x1082;
	s9 =	sld [smem:$0x3FB6]  }
0x2f: {  	lr =	sadd.s32 s0, s3;
	s0 =	sld [smem:$0x3FAD]  }
0x30: {  	s3 =	sld [smem:$0x3FB0]  }
0x31: {  	[smem:$0x3FB9] =	sst s10  }
0x32: {  	s10 =	sld [smem:$0x3FB7];
	_ =	sdelay $0x3  }
0x33: {  	p0 =	seq.s32 s10, $0x1;
	s10 =	sld [smem:$0x3FB9];
	_ =	sdelay $0x3  }
0x34: {  	[smem:$0x3FB9] =	sst s10  }
0x35: {  	s10 =	sld [smem:$0x3FB8];
	_ =	sdelay $0x3  }
0x36: {  	p1 =	seq.s32 s10, $0x1;
	s10 =	sld [smem:$0x3FB9];
	_ =	sdelay $0x3  }
0x37: {  	[smem:$0x3FB9] =	sst s10  }
0x38: {  	s10 =	sld [smem:$0x3FBA]  }
0x39: {  	_ = 	snop;
	(pc) =	sbr.ind lr, $3  }
0x3a: {  	_ = 	snop  }
0x3b: {  	_ = 	snop  }
0x3c: {  	p2 =	seq.s32 s10, $0x1;
	s10 =	sld [smem:$0x3FB9]  }
0x3d: {  	_ =	shalt  }
0x3e: {  	_ =	shalt  }
0x3f: {  	_ =	shalt  }
0x40: {  	_ =	shalt  }
0x41: {  	_ =	shalt  }
0x42: {  	_ =	shalt  }
0x43: {  	_ =	shalt  }
0x44: {  	_ =	shalt  }
0x45: {  	_ =	shalt  }
0x46: {  	_ =	shalt  }
0x47: {  	_ =	shalt  }
0x48: {  	_ =	shalt  }
0x49: {  	_ =	shalt  }
0x4a: {  	_ =	shalt  }
0x4b: {  	_ =	shalt  }
0x4c: {  	_ =	shalt  }
0x4d: {  	_ =	shalt  }
0x4e: {  	_ =	shalt  }
0x4f: {  	_ =	shalt  }
0x50: {  	_ =	shalt  }
0x51: {  	_ =	shalt  }
0x52: {  	_ =	shalt  }
0x53: {  	_ =	shalt  }
0x54: {  	_ =	shalt  }
0x55: {  	_ =	shalt  }
0x56: {  	_ =	shalt  }
0x57: {  	_ =	shalt  }
0x58: {  	_ =	shalt  }
0x59: {  	_ =	shalt  }
0x5a: {  	_ =	shalt  }
0x5b: {  	_ =	shalt  }
0x5c: {  	_ =	shalt  }
0x5d: {  	_ =	shalt  }
0x5e: {  	_ =	shalt  }
0x5f: {  	_ =	shalt  }
0x60: {  	_ =	shalt  }
0x61: {  	_ =	shalt  }
0x62: {  	_ =	shalt  }
0x63: {  	_ =	shalt  }
0x64: {  	_ =	shalt  }
0x65: {  	_ =	shalt  }
0x66: {  	_ =	shalt  }
0x67: {  	_ =	shalt  }
0x68: {  	_ =	shalt  }
0x69: {  	_ =	shalt  }
0x6a: {  	_ =	shalt  }
0x6b: {  	_ =	shalt  }
0x6c: {  	_ =	shalt  }
0x6d: {  	_ =	shalt  }
0x6e: {  	_ =	shalt  }
0x6f: {  	_ =	shalt  }
0x70: {  	_ =	shalt  }
0x71: {  	_ =	shalt  }
0x72: {  	_ =	shalt  }
0x73: {  	_ =	shalt  }
0x74: {  	_ =	shalt  }
0x75: {  	_ =	shalt  }
0x76: {  	_ =	shalt  }
0x77: {  	_ =	shalt  }
0x78: {  	_ =	shalt  }
0x79: {  	_ =	shalt  }
0x7a: {  	_ =	shalt  }
0x7b: {  	_ =	shalt  }
0x7c: {  	_ =	shalt  }
0x7d: {  	_ =	shalt  }
0x7e: {  	_ =	shalt  }
0x7f: {  	_ =	shalt  }
0x80: {  	_ =	shalt  }
0x81: {  	_ =	shalt  }
0x82: {  	_ =	shalt  }
0x83: {  	_ =	shalt  }
0x84: {  	_ =	shalt  }
0x85: {  	_ =	shalt  }
0x86: {  	_ =	shalt  }
0x87: {  	_ =	shalt  }
.Lfunc_end0:
.L_simem_size_0:
called_computation_lowered:
.L_overlay_start_0:
0x88: {  	s2 =	sld [smem:$0x3FD9]  }
0x89: {  	s3 =	sld [smem:$0x3FFE];
	_ =	sdelay $0x1  }
0x8a: {  	s1 =	srdreg.scid  }
0x8b: {  	s0 =	sand.u32 $0x1, s1  }
0x8c: {  	s18 =	sshll.u32 s0, $0xA;
	s2 =	sadd.s32 s3, s2  }
0x8d: {  	s2 =	sadd.s32 s2, s18  }
0x8e: {  	[smem:$0x3FC5] =	sst s2  }
0x8f: {  	_ = 	snop  }
0x90: {  	s2 =	sld [smem:$0x3FC9]  }
0x91: {  	s19 =	sld [smem:$0x3FC8]  }
0x92: {  	s4 =	sld [smem:$0x3FC7]  }
0x93: {  	s5 =	sld [smem:$0x3FD0];
	(tm) =	ssettm $0x1  }
0x94: {  	s6 =	sld [smem:$0x3FFB];
	_ =	sdelay $0x3  }
0x95: {  	_ =	strace s6  }
0x96: {  	s6 =	sld [smem:$0x3FFC];
	_ =	sdelay $0x3  }
0x97: {  	_ =	strace s6  }
0x98: {  	s6 =	sld [smem:$0x3FFD];
	_ =	sdelay $0x3  }
0x99: {  	_ =	strace s6  }
0x9a: {  	_ =	strace $0x8FFFFFFF  }
0x9b: {  	s20 =	sld [smem:$0x3FDB];
	_ =	sdelay $0x1  }
0x9c: {  	s7 =	simm.s32 $_scs_section_size  }
0x9d: {  	s8 =	simm.s32 $_size__tile_overlayer_lowered;
	s9 =	simm.s32 $_tile_overlayer_lowered  }
0x9e: {  	s23 =	simm.s32 $0x1BFF;
	s22 =	sshll.u32 s9, $0x1;
	s6 =	sadd.s32 s7, s20  }
0x9f: {  	s10 =	simm.s32 $0x0;
	s21 =	sshll.u32 s8, $0x1;
	s8 =	sadd.s32 s22, s6  }
0xa0: {  	[timem:s10], [sflag:s23] =	dma.local [hbm:s8], s21  }
0xa1: {  	_ =	swait.ge [sflag:s23], s21  }
0xa2: {  	s7 =	ssub.s32 $0x0, s21;
	[sflag:s23] =	ssyncset.done $0x0  }
0xa3: {  	[sflag:s23] =	ssyncadd.s32 s7;
	_ =	sdelay $0x1  }
0xa4: {  	s24 =	simm.s32 $0x1B8B  }
0xa5: {  	_ =	swait.ge [sflag:s24], $0x1  }
0xa6: {  	[sflag:s24] =	ssyncset.done $0x0  }
0xa7: {  	s25 =	simm.s32 $0x1B8E;
	[sflag:s24] =	ssyncadd.s32 $0xFFFFFFFF  }
0xa8: {  	s26 =	simm.s32 $execute0_lowered;
	[smem:$0x3FD2] =	sst s25  }
0xa9: {  	s7 =	sshll.u32 s26, $0x1;
	_ =	strace $0x80000046;
	[dreg:$0x1] =	wrdreg $0xFFFFFFFF  }
0xaa: {  	s28 =	simm.s32 $_size_execute0_lowered;
	s6 =	sadd.s32 s6, s7;
	[dreg:$0x0] =	wrdreg $0x0  }
0xab: {  	s7 =	sshll.u32 s28, $0x1;
	[dreg:$0x2] =	wrdreg s6  }
0xac: {  	[dreg:$0x3] =	wrdreg s7  }
0xad: {  	[dreg:$0x4] =	wrdreg $0xC0  }
0xae: {  	_ =	task [dreg:s10], $0x5FFFF  }
0xaf: {  	[dreg:$0x1] =	wrdreg $0xFFFFFFFF  }
0xb0: {  	[dreg:$0x0] =	wrdreg $0x60  }
0xb1: {  	[dreg:$0x2] =	wrdreg s2  }
0xb2: {  	[dreg:$0x3] =	wrdreg s19  }
0xb3: {  	[dreg:$0x4] =	wrdreg s4  }
0xb4: {  	[dreg:$0x5] =	wrdreg s5  }
0xb5: {  	[dreg:$0x6] =	wrdreg $0x9  }
0xb6: {  	_ =	task.clear_ibuf [dreg:s10], $0x7FFFF;
	_ =	strace $0x90000046  }
0xb7: {  	s29 =	simm.s32 $0x9;
	_ =	strace $0x80000048  }
0xb8: {  	_ =	swait.ge [sflag:s29], $0x1  }
0xb9: {  	[sflag:s29] =	ssyncadd.s32 $0xFFFFFFFF  }
0xba: {  	_ =	strace $0x90000048  }
0xbb: {  	_ =	sfence  }
0xbc: {  	s30 =	sld [smem:$0x0];
	_ =	sdelay $0x2  }
0xbd: {  	s31 =	sshll.u32 s1, $0xD;
	s1 =	sshrl.u32 s1, $0x2  }
0xbe: {  	s3 =	sand.u32 $0x4000, s31;
	s1 =	sadd.s32 s1, s30  }
0xbf: {  	s0 =	sor.u32 s3, s0;
	s1 =	sshll.u32 s1, $0x11  }
0xc0: {  	s0 =	sor.u32 s1, s0  }
0xc1: {  	s0 =	sadd.s32 $0x8F2B, s0  }
0xc2: {  	[sflag:s0] =	ssyncadd.remote.s32 $0x1  }
0xc3: {  	_ =	sfence.sel $0xFFFF  }
0xc4: {  	[dreg:$0x0] =	wrdreg $0xFFFFFFFF;
	(pc) =	sbr.abs _section_cstart, $3  }
0xc5: {  	[dreg:$0x1] =	wrdreg $0xFFFFFFFF  }
0xc6: {  	_ =	task.clear_ibuf [dreg:s10], $0x2FFFF;
	_ =	strace $0x9FFFFFFF  }
0xc7: {  	(tm) =	ssettm $0x7FFFFFFF  }
tec
execute0_lowered:
.L_overlay_start_1:
0x0: {  	(tag) =	ssettag $0x1  }
0x1: {  	s0 =	rddreg [dreg:$0x0]  }
0x2: {  	s1 =	rddreg [dreg:$0x3]  }
0x3: {  	s2 =	srdreg.scid;
	s3 =	stileid.u32  }
0x4: {  	s4 =	simm.s32 $0x0;
	s7 =	simm.s32 $0x4;
	s2 =	sand.u32 $0x1, s2  }
0x5: {  	s8 =	simm.s32 $0x1;
	s3 =	sshll.u32 s3, $0xA;
	s5 =	sshll.u32 s2, $0x9  }
0x6: {  	s9 =	simm.s32 $0x2;
	s10 =	simm.s32 $0x3;
	s3 =	sor.u32 s5, s3  }
0x7: {  	s11 =	simm.s32 $0x6880;
	s12 =	simm.s32 $0x0;
	s5 =	sadd.s32 s0, s3  }
0x8: {  	[smem:$0x7FF] =	sst s4;
	s2 =	ssub.s32 $0x2, s2;
	s14 =	sadd.s32 $0x10, s5  }
0x9: {  	_ =	strace $0x80000047;
	s15 =	sadd.s32 $0x20, s5;
	[dreg:$0x5] =	wrdreg s14  }
0xa: {  	s6 =	sshrl.u32 s2, $0x1;
	s16 =	sadd.s32 $0x30, s5;
	[dreg:$0x6] =	wrdreg s15  }
0xb: {  	s13 =	ssub.s32 s2, s6;
	s17 =	sadd.s32 $0x40, s5;
	[dreg:$0x7] =	wrdreg s16  }
0xc: {  	s26 =	sshrl.u32 s3, $0x3;
	s18 =	sadd.s32 $0x50, s5;
	[dreg:$0x8] =	wrdreg s17  }
0xd: {  	s3 =	simm.s32 $0x80;
	s19 =	sadd.s32 $0x60, s5;
	[dreg:$0x9] =	wrdreg s18  }
0xe: {  	s6 =	simm.s32 $0x1A00;
	s20 =	sadd.s32 $0x70, s5;
	[dreg:$0xa] =	wrdreg s19  }
0xf: {  	s21 =	sadd.s32 $0x4000, s5;
	s22 =	sadd.s32 $0x4010, s5;
	[dreg:$0xb] =	wrdreg s20  }
0x10: {  	s23 =	sadd.s32 $0x4020, s5;
	s24 =	sadd.s32 $0x4030, s5;
	[dreg:$0xc] =	wrdreg s21  }
0x11: {  	s25 =	sadd.s32 $0x4040, s5;
	s28 =	sadd.s32 $0x8040, s5;
	[dreg:$0xd] =	wrdreg s22  }
0x12: {  	s29 =	sadd.s32 $0x8050, s5;
	s30 =	sadd.s32 $0x8060, s5;
	[dreg:$0xe] =	wrdreg s23  }
0x13: {  	s31 =	sadd.s32 $0x8070, s5;
	s0 =	sadd.s32 $0xC000, s5;
	[dreg:$0xf] =	wrdreg s24  }
0x14: {  	s2 =	sadd.s32 $0xC010, s5;
	[dreg:$0x10] =	wrdreg s25;
	s18 =	sadd.s32 $0x4050, s5  }
0x15: {  	s19 =	sadd.s32 $0x4060, s5;
	s20 =	sadd.s32 $0x4070, s5;
	s21 =	sadd.s32 $0x8000, s5  }
0x16: {  	s22 =	sadd.s32 $0x8010, s5;
	s23 =	sadd.s32 s1, s26;
	s24 =	sadd.s32 $0x8020, s5  }
0x17: {  	s25 =	smax.u32 s13, $0x1;
	s26 =	sadd.s32 $0x8030, s5;
	s1 =	simm.s32 $0x400  }
.LBB2_1:
0x18: {  	[tilespmem:s4], [sflag:$0x1] =	stream.strided.gather [hbm4b:s5+s3], $0x200, s1, s3, $0x38;
	[tilespmem:$0x6A80] =	vst v63  }
0x19: {  	s13 =	rddreg [dreg:$0x5];
	s14 =	simm.s32 $0x200  }
0x1a: {  	[tilespmem:s14], [sflag:$0x1] =	stream.strided.gather [hbm4b:s13+s3], $0x200, s1, s3, $0x38;
	[tilespmem:$0x6A80] =	vst v63  }
0x1b: {  	s17 =	rddreg [dreg:$0x6]  }
0x1c: {  	[tilespmem:s1], [sflag:$0x1] =	stream.strided.gather [hbm4b:s17+s3], $0x200, s1, s3, $0x38;
	[tilespmem:$0x6A80] =	vst v63  }
0x1d: {  	s15 =	simm.s32 $0x600;
	s14 =	rddreg [dreg:$0x7]  }
0x1e: {  	[tilespmem:s15], [sflag:$0x1] =	stream.strided.gather [hbm4b:s14+s3], $0x200, s1, s3, $0x38;
	[tilespmem:$0x6A80] =	vst v63  }
0x1f: {  	s16 =	rddreg [dreg:$0x8];
	s17 =	simm.s32 $0x800  }
0x20: {  	[tilespmem:s17], [sflag:$0x1] =	stream.strided.gather [hbm4b:s16+s3], $0x200, s1, s3, $0x38;
	[tilespmem:$0x6A80] =	vst v63  }
0x21: {  	s14 =	rddreg [dreg:$0x9];
	s15 =	simm.s32 $0xA00  }
0x22: {  	[tilespmem:s15], [sflag:$0x1] =	stream.strided.gather [hbm4b:s14+s3], $0x200, s1, s3, $0x38;
	[tilespmem:$0x6A80] =	vst v63  }
0x23: {  	s16 =	rddreg [dreg:$0xa];
	s17 =	simm.s32 $0xC00  }
0x24: {  	[tilespmem:s17], [sflag:$0x1] =	stream.strided.gather [hbm4b:s16+s3], $0x200, s1, s3, $0x38;
	[tilespmem:$0x6A80] =	vst v63  }
0x25: {  	s14 =	rddreg [dreg:$0xb];
	s15 =	simm.s32 $0xE00  }
0x26: {  	[tilespmem:s15], [sflag:$0x1] =	stream.strided.gather [hbm4b:s14+s3], $0x200, s1, s3, $0x38;
	[tilespmem:$0x6A80] =	vst v63  }
0x27: {  	s16 =	rddreg [dreg:$0xc];
	s17 =	simm.s32 $0x1000  }
0x28: {  	[tilespmem:s17], [sflag:$0x1] =	stream.strided.gather [hbm4b:s16+s3], $0x200, s1, s3, $0x38;
	[tilespmem:$0x6A80] =	vst v63  }
0x29: {  	s14 =	rddreg [dreg:$0xd];
	s15 =	simm.s32 $0x1200  }
0x2a: {  	[tilespmem:s15], [sflag:$0x1] =	stream.strided.gather [hbm4b:s14+s3], $0x200, s1, s3, $0x38;
	[tilespmem:$0x6A80] =	vst v63  }
0x2b: {  	s16 =	rddreg [dreg:$0xe];
	s17 =	simm.s32 $0x1400  }
0x2c: {  	[tilespmem:s17], [sflag:$0x1] =	stream.strided.gather [hbm4b:s16+s3], $0x200, s1, s3, $0x38;
	[tilespmem:$0x6A80] =	vst v63  }
0x2d: {  	s14 =	rddreg [dreg:$0xf];
	s15 =	simm.s32 $0x1600  }
0x2e: {  	[tilespmem:s15], [sflag:$0x1] =	stream.strided.gather [hbm4b:s14+s3], $0x200, s1, s3, $0x38;
	[tilespmem:$0x6A80] =	vst v63  }
0x2f: {  	s16 =	rddreg [dreg:$0x10];
	s17 =	simm.s32 $0x1800  }
0x30: {  	[tilespmem:s17], [sflag:$0x1] =	stream.strided.gather [hbm4b:s16+s3], $0x200, s1, s3, $0x38;
	[tilespmem:$0x6A80] =	vst v63  }
0x31: {  	_ = 	snop  }
0x32: {  	[tilespmem:s6], [sflag:$0x2] =	stream.strided.gather [hbm4b:s18+s3], $0x200, s1, s3, $0x38;
	[tilespmem:$0x6A80] =	vst v63  }
0x33: {  	s15 =	simm.s32 $0x1C00  }
0x34: {  	[tilespmem:s15], [sflag:$0x2] =	stream.strided.gather [hbm4b:s19+s3], $0x200, s1, s3, $0x38;
	[tilespmem:$0x6A80] =	vst v63  }
0x35: {  	s16 =	simm.s32 $0x1E00  }
0x36: {  	[tilespmem:s16], [sflag:$0x2] =	stream.strided.gather [hbm4b:s20+s3], $0x200, s1, s3, $0x38;
	[tilespmem:$0x6A80] =	vst v63  }
0x37: {  	s17 =	simm.s32 $0x2000  }
0x38: {  	[tilespmem:s17], [sflag:$0x2] =	stream.strided.gather [hbm4b:s21+s3], $0x200, s1, s3, $0x38;
	[tilespmem:$0x6A80] =	vst v63  }
0x39: {  	s14 =	simm.s32 $0x2200  }
0x3a: {  	[tilespmem:s14], [sflag:$0x2] =	stream.strided.gather [hbm4b:s22+s3], $0x200, s1, s3, $0x38;
	[tilespmem:$0x6A80] =	vst v63  }
0x3b: {  	s15 =	simm.s32 $0x2400  }
0x3c: {  	[tilespmem:s15], [sflag:$0x2] =	stream.strided.gather [hbm4b:s24+s3], $0x200, s1, s3, $0x38;
	[tilespmem:$0x6A80] =	vst v63  }
0x3d: {  	s16 =	simm.s32 $0x2600  }
0x3e: {  	[tilespmem:s16], [sflag:$0x2] =	stream.strided.gather [hbm4b:s26+s3], $0x200, s1, s3, $0x38;
	[tilespmem:$0x6A80] =	vst v63  }
0x3f: {  	s17 =	simm.s32 $0x2800  }
0x40: {  	[tilespmem:s17], [sflag:$0x2] =	stream.strided.gather [hbm4b:s28+s3], $0x200, s1, s3, $0x38;
	[tilespmem:$0x6A80] =	vst v63  }
0x41: {  	s14 =	simm.s32 $0x2A00  }
0x42: {  	[tilespmem:s14], [sflag:$0x2] =	stream.strided.gather [hbm4b:s29+s3], $0x200, s1, s3, $0x38;
	[tilespmem:$0x6A80] =	vst v63  }
0x43: {  	s15 =	simm.s32 $0x2C00  }
0x44: {  	[tilespmem:s15], [sflag:$0x2] =	stream.strided.gather [hbm4b:s30+s3], $0x200, s1, s3, $0x38;
	[tilespmem:$0x6A80] =	vst v63  }
0x45: {  	s16 =	simm.s32 $0x2E00  }
0x46: {  	[tilespmem:s16], [sflag:$0x2] =	stream.strided.gather [hbm4b:s31+s3], $0x200, s1, s3, $0x38;
	[tilespmem:$0x6A80] =	vst v63  }
0x47: {  	s17 =	simm.s32 $0x3000  }
0x48: {  	[tilespmem:s17], [sflag:$0x2] =	stream.strided.gather [hbm4b:s0+s3], $0x200, s1, s3, $0x38;
	[tilespmem:$0x6A80] =	vst v63  }
0x49: {  	s14 =	simm.s32 $0x3200  }
0x4a: {  	[tilespmem:s14], [sflag:$0x2] =	stream.strided.gather [hbm4b:s2+s3], $0x200, s1, s3, $0x38;
	[tilespmem:$0x6A80] =	vst v63  }
0x4b: {  	s15 =	rddreg [dreg:$0x2];
	s16 =	simm.s32 $0x6800  }
0x4c: {  	[tilespmem:s16], [sflag:$0x4] =	stream.linear.gather [hbm4b:s15+s4], $0x80, $0x38;
	[tilespmem:$0x6A80] =	vst v63  }
0x4d: {  	_ =	swait.ge [sflag:s7], $0x80  }
0x4e: {  	[sflag:s7] =	ssyncset.done $0x0  }
0x4f: {  	[sflag:s7] =	ssyncadd.s32 $0xFFFFFF80  }
0x50: {  	_ =	swait.ge [sflag:s8], $0x200  }
0x51: {  	[sflag:s8] =	ssyncset.done $0x0  }
0x52: {  	[sflag:s8] =	ssyncadd.s32 $0xFFFFFE00  }
0x53: {  	_ =	swait.ge [sflag:s8], $0x200  }
0x54: {  	[sflag:s8] =	ssyncset.done $0x0  }
0x55: {  	[sflag:s8] =	ssyncadd.s32 $0xFFFFFE00  }
0x56: {  	_ =	swait.ge [sflag:s8], $0x200  }
0x57: {  	[sflag:s8] =	ssyncset.done $0x0  }
0x58: {  	[sflag:s8] =	ssyncadd.s32 $0xFFFFFE00  }
0x59: {  	_ =	swait.ge [sflag:s8], $0x200  }
0x5a: {  	[sflag:s8] =	ssyncset.done $0x0  }
0x5b: {  	[sflag:s8] =	ssyncadd.s32 $0xFFFFFE00  }
0x5c: {  	_ =	swait.ge [sflag:s8], $0x200  }
0x5d: {  	[sflag:s8] =	ssyncset.done $0x0  }
0x5e: {  	[sflag:s8] =	ssyncadd.s32 $0xFFFFFE00  }
0x5f: {  	_ =	swait.ge [sflag:s8], $0x200  }
0x60: {  	[sflag:s8] =	ssyncset.done $0x0  }
0x61: {  	[sflag:s8] =	ssyncadd.s32 $0xFFFFFE00  }
0x62: {  	_ =	swait.ge [sflag:s8], $0x200  }
0x63: {  	[sflag:s8] =	ssyncset.done $0x0  }
0x64: {  	[sflag:s8] =	ssyncadd.s32 $0xFFFFFE00  }
0x65: {  	_ =	swait.ge [sflag:s8], $0x200  }
0x66: {  	[sflag:s8] =	ssyncset.done $0x0  }
0x67: {  	[sflag:s8] =	ssyncadd.s32 $0xFFFFFE00  }
0x68: {  	_ =	swait.ge [sflag:s8], $0x200  }
0x69: {  	[sflag:s8] =	ssyncset.done $0x0  }
0x6a: {  	[sflag:s8] =	ssyncadd.s32 $0xFFFFFE00  }
0x6b: {  	_ =	swait.ge [sflag:s8], $0x200  }
0x6c: {  	[sflag:s8] =	ssyncset.done $0x0  }
0x6d: {  	[sflag:s8] =	ssyncadd.s32 $0xFFFFFE00  }
0x6e: {  	_ =	swait.ge [sflag:s8], $0x200  }
0x6f: {  	[sflag:s8] =	ssyncset.done $0x0  }
0x70: {  	[sflag:s8] =	ssyncadd.s32 $0xFFFFFE00  }
0x71: {  	_ =	swait.ge [sflag:s8], $0x200  }
0x72: {  	[sflag:s8] =	ssyncset.done $0x0  }
0x73: {  	[sflag:s8] =	ssyncadd.s32 $0xFFFFFE00  }
0x74: {  	_ =	swait.ge [sflag:s8], $0x200  }
0x75: {  	[sflag:s8] =	ssyncset.done $0x0  }
0x76: {  	[sflag:s8] =	ssyncadd.s32 $0xFFFFFE00  }
0x77: {  	s17 =	simm.s32 $0x3400;
	s16 =	rddreg [dreg:$0x1]  }
0x78: {  	[tilespmem:s17], [sflag:$0x3] =	stream.indirect.gather [hbm4b:s16+s6], $0x1, s4, s6, $0xb8;
	[tilespmem:$0x6A80] =	vst v63  }
0x79: {  	_ =	swait.ge [sflag:s9], $0x200  }
0x7a: {  	[sflag:s9] =	ssyncset.done $0x0  }
0x7b: {  	[sflag:s9] =	ssyncadd.s32 $0xFFFFFE00  }
0x7c: {  	_ =	swait.ge [sflag:s9], $0x200  }
0x7d: {  	[sflag:s9] =	ssyncset.done $0x0  }
0x7e: {  	[sflag:s9] =	ssyncadd.s32 $0xFFFFFE00  }
0x7f: {  	_ =	swait.ge [sflag:s9], $0x200  }
0x80: {  	[sflag:s9] =	ssyncset.done $0x0  }
0x81: {  	[sflag:s9] =	ssyncadd.s32 $0xFFFFFE00  }
0x82: {  	_ =	swait.ge [sflag:s9], $0x200  }
0x83: {  	[sflag:s9] =	ssyncset.done $0x0  }
0x84: {  	[sflag:s9] =	ssyncadd.s32 $0xFFFFFE00  }
0x85: {  	_ =	swait.ge [sflag:s9], $0x200  }
0x86: {  	[sflag:s9] =	ssyncset.done $0x0  }
0x87: {  	[sflag:s9] =	ssyncadd.s32 $0xFFFFFE00  }
0x88: {  	_ =	swait.ge [sflag:s9], $0x200  }
0x89: {  	[sflag:s9] =	ssyncset.done $0x0  }
0x8a: {  	[sflag:s9] =	ssyncadd.s32 $0xFFFFFE00  }
0x8b: {  	_ =	swait.ge [sflag:s9], $0x200  }
0x8c: {  	[sflag:s9] =	ssyncset.done $0x0  }
0x8d: {  	[sflag:s9] =	ssyncadd.s32 $0xFFFFFE00  }
0x8e: {  	_ =	swait.ge [sflag:s9], $0x200  }
0x8f: {  	[sflag:s9] =	ssyncset.done $0x0  }
0x90: {  	[sflag:s9] =	ssyncadd.s32 $0xFFFFFE00  }
0x91: {  	_ =	swait.ge [sflag:s9], $0x200  }
0x92: {  	[sflag:s9] =	ssyncset.done $0x0  }
0x93: {  	[sflag:s9] =	ssyncadd.s32 $0xFFFFFE00  }
0x94: {  	_ =	swait.ge [sflag:s9], $0x200  }
0x95: {  	[sflag:s9] =	ssyncset.done $0x0  }
0x96: {  	[sflag:s9] =	ssyncadd.s32 $0xFFFFFE00  }
0x97: {  	_ =	swait.ge [sflag:s9], $0x200  }
0x98: {  	[sflag:s9] =	ssyncset.done $0x0  }
0x99: {  	[sflag:s9] =	ssyncadd.s32 $0xFFFFFE00  }
0x9a: {  	_ =	swait.ge [sflag:s9], $0x200  }
0x9b: {  	[sflag:s9] =	ssyncset.done $0x0  }
0x9c: {  	[sflag:s9] =	ssyncadd.s32 $0xFFFFFE00  }
0x9d: {  	_ =	swait.ge [sflag:s9], $0x200  }
0x9e: {  	[sflag:s9] =	ssyncset.done $0x0  }
0x9f: {  	s15 =	simm.s32 $0x4E00;
	[sflag:s9] =	ssyncadd.s32 $0xFFFFFE00  }
0xa0: {  	[tilespmem:s15], [sflag:$0x2] =	stream.indirect.gather [hbm4b:s16+s6], $0x1, s6, s6, $0xb8;
	[tilespmem:$0x6A80] =	vst v63  }
0xa1: {  	_ =	swait.ge [sflag:s10], $0x1A00  }
0xa2: {  	[sflag:s10] =	ssyncset.done $0x0  }
0xa3: {  	[sflag:s10] =	ssyncadd.s32 $0xFFFFE600  }
0xa4: {  	v0 =	vld [tilespmem:s17+$0x0]  }
0xa5: {  	s17 =	sand.u32 $0x1F0, s4  }
0xa6: {  	v1 =	vld [tilespmem:s17+$0x3600];
	_ =	sdelay $0x1  }
0xa7: {  	v2 =	vld [tilespmem:s17+$0x3800]  }
0xa8: {  	v0 =	vadd.f32 $0.0e+00, v0  }
0xa9: {  	v3 =	vld [tilespmem:s17+$0x3A00]  }
0xaa: {  	v0 =	vadd.f32 v1, v0  }
0xab: {  	v1 =	vld [tilespmem:s17+$0x3C00]  }
0xac: {  	v0 =	vadd.f32 v2, v0  }
0xad: {  	v2 =	vld [tilespmem:s17+$0x3E00]  }
0xae: {  	v0 =	vadd.f32 v3, v0  }
0xaf: {  	v3 =	vld [tilespmem:s17+$0x4000]  }
0xb0: {  	v0 =	vadd.f32 v1, v0  }
0xb1: {  	v1 =	vld [tilespmem:s17+$0x4200]  }
0xb2: {  	v0 =	vadd.f32 v2, v0  }
0xb3: {  	v2 =	vld [tilespmem:s17+$0x4400]  }
0xb4: {  	v0 =	vadd.f32 v3, v0  }
0xb5: {  	v3 =	vld [tilespmem:s17+$0x4600]  }
0xb6: {  	v0 =	vadd.f32 v1, v0  }
0xb7: {  	v1 =	vld [tilespmem:s17+$0x4800]  }
0xb8: {  	v0 =	vadd.f32 v2, v0  }
0xb9: {  	v2 =	vld [tilespmem:s17+$0x4A00]  }
0xba: {  	v0 =	vadd.f32 v3, v0  }
0xbb: {  	v3 =	vld [tilespmem:s17+$0x4C00]  }
0xbc: {  	v0 =	vadd.f32 v1, v0;
	_ =	sdelay $0x1  }
0xbd: {  	v0 =	vadd.f32 v2, v0;
	_ =	sdelay $0x1  }
0xbe: {  	v0 =	vadd.f32 v3, v0;
	_ =	sdelay $0x1  }
0xbf: {  	s14 =	simm.s32 $0x3410;
	[tilespmem:s11+$0x0] =	vst v0  }
0xc0: {  	s13 =	simm.s32 $0x6880;
	s15 =	simm.s32 $0x10;
	s16 =	simm.s32 $0x20;
	v0 =	vld [tilespmem:s14+$0x0]  }
.LBB2_2:
0xc1: {  	p0 =	sne.s32 s16, $0x1F0;
	s17 =	sand.u32 $0x1F0, s15;
	s15 =	smov.u32 s16  }
0xc2: {  	v1 =	vld [tilespmem:s17+$0x3600];
	_ =	sdelay $0x1  }
0xc3: {  	v2 =	vld [tilespmem:s17+$0x3800]  }
0xc4: {  	v0 =	vadd.f32 $0.0e+00, v0  }
0xc5: {  	v3 =	vld [tilespmem:s17+$0x3A00]  }
0xc6: {  	v0 =	vadd.f32 v1, v0  }
0xc7: {  	v1 =	vld [tilespmem:s17+$0x3C00]  }
0xc8: {  	v0 =	vadd.f32 v2, v0  }
0xc9: {  	v2 =	vld [tilespmem:s17+$0x3E00]  }
0xca: {  	v0 =	vadd.f32 v3, v0  }
0xcb: {  	v3 =	vld [tilespmem:s17+$0x4000]  }
0xcc: {  	v0 =	vadd.f32 v1, v0  }
0xcd: {  	v1 =	vld [tilespmem:s17+$0x4200]  }
0xce: {  	v0 =	vadd.f32 v2, v0  }
0xcf: {  	v2 =	vld [tilespmem:s17+$0x4400]  }
0xd0: {  	v0 =	vadd.f32 v3, v0  }
0xd1: {  	v3 =	vld [tilespmem:s17+$0x4600]  }
0xd2: {  	v0 =	vadd.f32 v1, v0  }
0xd3: {  	v1 =	vld [tilespmem:s17+$0x4800]  }
0xd4: {  	v0 =	vadd.f32 v2, v0  }
0xd5: {  	v2 =	vld [tilespmem:s17+$0x4A00]  }
0xd6: {  	v0 =	vadd.f32 v3, v0  }
0xd7: {  	v3 =	vld [tilespmem:s17+$0x4C00]  }
0xd8: {  	v0 =	vadd.f32 v1, v0;
	_ =	sdelay $0x1  }
0xd9: {  	v0 =	vadd.f32 v2, v0  }
.Ltmp0:
0xda: {  	(pc) =	sbr.rel @p0 .LBB2_2-.Ltmp0, $4  }
0xdb: {  	v0 =	vadd.f32 v3, v0  }
0xdc: {  	s13 =	sadd.s32 $0x10, s13  }
0xdd: {  	s14 =	sadd.s32 $0x10, s14;
	[tilespmem:s13+$0x0] =	vst v0  }
0xde: {  	s16 =	sadd.s32 $0x10, s16;
	v0 =	vld [tilespmem:s14+$0x0]  }
0xdf: {  	s14 =	sand.u32 $0x1F0, s15  }
0xe0: {  	v1 =	vld [tilespmem:s14+$0x3600];
	_ =	sdelay $0x1  }
0xe1: {  	v2 =	vld [tilespmem:s14+$0x3800]  }
0xe2: {  	v0 =	vadd.f32 $0.0e+00, v0  }
0xe3: {  	v3 =	vld [tilespmem:s14+$0x3A00]  }
0xe4: {  	v0 =	vadd.f32 v1, v0  }
0xe5: {  	v1 =	vld [tilespmem:s14+$0x3C00]  }
0xe6: {  	v0 =	vadd.f32 v2, v0  }
0xe7: {  	v2 =	vld [tilespmem:s14+$0x3E00]  }
0xe8: {  	v0 =	vadd.f32 v3, v0  }
0xe9: {  	v3 =	vld [tilespmem:s14+$0x4000]  }
0xea: {  	v0 =	vadd.f32 v1, v0  }
0xeb: {  	v1 =	vld [tilespmem:s14+$0x4200]  }
0xec: {  	v0 =	vadd.f32 v2, v0  }
0xed: {  	v2 =	vld [tilespmem:s14+$0x4400]  }
0xee: {  	v0 =	vadd.f32 v3, v0  }
0xef: {  	v3 =	vld [tilespmem:s14+$0x4600]  }
0xf0: {  	v0 =	vadd.f32 v1, v0  }
0xf1: {  	v1 =	vld [tilespmem:s14+$0x4800]  }
0xf2: {  	v0 =	vadd.f32 v2, v0  }
0xf3: {  	v2 =	vld [tilespmem:s14+$0x4A00]  }
0xf4: {  	v0 =	vadd.f32 v3, v0  }
0xf5: {  	v3 =	vld [tilespmem:s14+$0x4C00]  }
0xf6: {  	v0 =	vadd.f32 v1, v0;
	_ =	sdelay $0x1  }
0xf7: {  	v0 =	vadd.f32 v2, v0;
	_ =	sdelay $0x1  }
0xf8: {  	v0 =	vadd.f32 v3, v0  }
0xf9: {  	s13 =	sadd.s32 $0x10, s13  }
0xfa: {  	[tilespmem:s13+$0x0] =	vst v0  }
0xfb: {  	_ =	swait.ge [sflag:s9], $0x1A00  }
0xfc: {  	[sflag:s9] =	ssyncset.done $0x0  }
0xfd: {  	s17 =	simm.s32 $0x0;
	[sflag:s9] =	ssyncadd.s32 $0xFFFFE600  }
0xfe: {  	s15 =	sand.u32 $0x1F0, s17;
	v0 =	vld [tilespmem:$0x6800]  }
0xff: {  	s14 =	simm.s32 $0x10;
	s13 =	simm.s32 $0x6880;
	v1 =	vld [tilespmem:s15+$0x4E00]  }
.LBB2_4:
0x100: {  	p0 =	sne.s32 s14, $0x1F0;
	v2 =	vld [tilespmem:s13+$0x0];
	_ =	sdelay $0x1  }
0x101: {  	v3 =	vld [tilespmem:s15+$0x5000];
	_ =	sdelay $0x1  }
0x102: {  	v4 =	vld [tilespmem:s15+$0x5200]  }
0x103: {  	v1 =	vadd.f32 v1, v2  }
0x104: {  	v2 =	vld [tilespmem:s15+$0x5400]  }
0x105: {  	v1 =	vadd.f32 v3, v1  }
0x106: {  	v3 =	vld [tilespmem:s15+$0x5600]  }
0x107: {  	v1 =	vadd.f32 v4, v1  }
0x108: {  	v4 =	vld [tilespmem:s15+$0x5800]  }
0x109: {  	v1 =	vadd.f32 v2, v1  }
0x10a: {  	v2 =	vld [tilespmem:s15+$0x5A00]  }
0x10b: {  	v1 =	vadd.f32 v3, v1  }
0x10c: {  	v3 =	vld [tilespmem:s15+$0x5C00]  }
0x10d: {  	v1 =	vadd.f32 v4, v1  }
0x10e: {  	v4 =	vld [tilespmem:s15+$0x5E00]  }
0x10f: {  	v1 =	vadd.f32 v2, v1  }
0x110: {  	v2 =	vld [tilespmem:s15+$0x6000]  }
0x111: {  	v1 =	vadd.f32 v3, v1  }
0x112: {  	v3 =	vld [tilespmem:s15+$0x6200]  }
0x113: {  	v1 =	vadd.f32 v4, v1  }
0x114: {  	v4 =	vld [tilespmem:s15+$0x6400]  }
0x115: {  	v1 =	vadd.f32 v2, v1  }
0x116: {  	v2 =	vld [tilespmem:s15+$0x6600]  }
0x117: {  	v1 =	vadd.f32 v3, v1;
	_ =	sdelay $0x1  }
0x118: {  	v1 =	vadd.f32 v4, v1;
	_ =	sdelay $0x1  }
0x119: {  	v1 =	vadd.f32 v2, v1;
	_ =	sdelay $0x1  }
0x11a: {  	v1 =	vadd.f32 v1, v0;
	_ =	sdelay $0x1  }
0x11b: {  	v1 =	vadd.f32 v1, v1;
	_ =	sdelay $0x1  }
0x11c: {  	v1 =	vsub.f32 $0.0e+00, v1;
	_ =	sdelay $0x1  }
0x11d: {  	v1 =	vmul.f32 $1.442695020e+00, v1;
	_ =	sdelay $0x1  }
0x11e: {  	(erf) = vpow2.f32 v1;
	_ =	sdelay $0x8  }
0x11f: {  	v1 =	vpop (erf)  }
0x120: {  	v1 =	vadd.f32 $1.000000000e+00, v1;
	_ =	sdelay $0x1  }
0x121: {  	(erf) = vrcp.f32 v1;
	_ =	sdelay $0x6  }
.Ltmp1:
0x122: {  	(pc) =	sbr.rel @p0 .LBB2_4-.Ltmp1, $4  }
0x123: {  	_ = 	snop  }
0x124: {  	v1 =	vpop (erf)  }
0x125: {  	s15 =	sand.u32 $0x1F0, s14;
	[tilespmem:s13+$0x0] =	vst v1  }
0x126: {  	s14 =	sadd.s32 $0x10, s14;
	s13 =	sadd.s32 $0x10, s13;
	v1 =	vld [tilespmem:s15+$0x4E00]  }
0x127: {  	v2 =	vld [tilespmem:s13+$0x0];
	_ =	sdelay $0x1  }
0x128: {  	v3 =	vld [tilespmem:s15+$0x5000];
	_ =	sdelay $0x1  }
0x129: {  	v4 =	vld [tilespmem:s15+$0x5200]  }
0x12a: {  	v1 =	vadd.f32 v1, v2  }
0x12b: {  	v54 =	vld [tilespmem:s15+$0x5400]  }
0x12c: {  	v1 =	vadd.f32 v3, v1  }
0x12d: {  	v55 =	vld [tilespmem:s15+$0x5600]  }
0x12e: {  	v1 =	vadd.f32 v4, v1  }
0x12f: {  	v56 =	vld [tilespmem:s15+$0x5800]  }
0x130: {  	v1 =	vadd.f32 v54, v1  }
0x131: {  	v57 =	vld [tilespmem:s15+$0x5A00]  }
0x132: {  	v1 =	vadd.f32 v55, v1  }
0x133: {  	v58 =	vld [tilespmem:s15+$0x5C00]  }
0x134: {  	v1 =	vadd.f32 v56, v1  }
0x135: {  	v59 =	vld [tilespmem:s15+$0x5E00]  }
0x136: {  	v1 =	vadd.f32 v57, v1  }
0x137: {  	v60 =	vld [tilespmem:s15+$0x6000]  }
0x138: {  	v1 =	vadd.f32 v58, v1  }
0x139: {  	v61 =	vld [tilespmem:s15+$0x6200]  }
0x13a: {  	v1 =	vadd.f32 v59, v1  }
0x13b: {  	v62 =	vld [tilespmem:s15+$0x6400]  }
0x13c: {  	v1 =	vadd.f32 v60, v1  }
0x13d: {  	v63 =	vld [tilespmem:s15+$0x6600]  }
0x13e: {  	v1 =	vadd.f32 v61, v1;
	_ =	sdelay $0x1  }
0x13f: {  	v1 =	vadd.f32 v62, v1;
	_ =	sdelay $0x1  }
0x140: {  	v1 =	vadd.f32 v63, v1;
	_ =	sdelay $0x1  }
0x141: {  	v0 =	vadd.f32 v1, v0;
	_ =	sdelay $0x1  }
0x142: {  	v0 =	vadd.f32 v0, v0;
	_ =	sdelay $0x1  }
0x143: {  	v0 =	vsub.f32 $0.0e+00, v0;
	_ =	sdelay $0x1  }
0x144: {  	v0 =	vmul.f32 $1.442695020e+00, v0;
	_ =	sdelay $0x1  }
0x145: {  	(erf) = vpow2.f32 v0;
	_ =	sdelay $0x8  }
0x146: {  	v0 =	vpop (erf)  }
0x147: {  	v0 =	vadd.f32 $1.000000000e+00, v0;
	_ =	sdelay $0x1  }
0x148: {  	(erf) = vrcp.f32 v0;
	_ =	sdelay $0x7  }
0x149: {  	s12 =	sadd.s32 $0x1, s12  }
0x14a: {  	p0 =	sne.s32 s12, s25;
	v0 =	vpop (erf)  }
.Ltmp2:
0x14b: {  	[tilespmem:s13+$0x0] =	vst v0;
	(pc) =	sbr.rel @p0 .LBB2_1-.Ltmp2, $4  }
0x14c: {  	[hbm4b:s23+s4] =	stream.linear.scatter [tilespmem:s11], [sflag:$0x4], $0x200, $0x38;
	[tilespmem:$0x6A80] =	vst v63  }
0x14d: {  	_ =	swait.ge [sflag:s7], $0x200  }
0x14e: {  	[sflag:s7] =	ssyncset.done $0x0  }
0x14f: {  	[sflag:s7] =	ssyncadd.s32 $0xFFFFFE00  }
0x150: {  	_ =	sfence.sel $0x180000  }
0x151: {  	[bflag:$0x0] =	sbarrier.arrive $0xFFFF  }
0x152: {  	_ =	strace $0x90000047  }
0x153: {  	s0 =	stileid.u32;
	[bflag:$0x2] =	sbarrier.arrive $0xFFFF  }
0x154: {  	p0 =	sne.s32 s0, $0x0;
	s0 =	rddreg [dreg:$0x4]  }
0x155: {  	s0 =	sadd.s32 @!p0 $0x100000, s0  }
0x156: {  	[sflag:s0] =	ssyncadd.tile.s32 @!p0 $0x1;
	_ =	shalt  }
.Lfunc_end2:
_tile_overlayer_lowered:
.L_overlay_start_2:
0x157: {  	(tag) =	ssettag $0x2  }
0x158: {  	s0 =	rddreg [dreg:$0x0];
	s2 =	stileid.u32  }
0x159: {  	s1 =	rddreg [dreg:$0x1];
	p0 =	sne.s32 s2, $0x0  }
0x15a: {  	s3 =	rddreg [dreg:$0x2];
	[bflag:$0x3] =	sbarrier.arrive $0xFFFF;
	s2 =	simm.s32 @!p0 $0x1C04  }
0x15b: {  	[timem:s3], [sflag:s2] =	dma.local @!p0 [hbm:s0], s1  }
0x15c: {  	s0 =	simm.s32 @!p0 $0x4  }
0x15d: {  	_ =	swait.ge @!p0 [sflag:s0], s1  }
0x15e: {  	s1 =	ssub.s32 @!p0 $0x0, s1;
	[sflag:s0] =	ssyncset.done @!p0 $0x0  }
0x15f: {  	[sflag:s0] =	ssyncadd.s32 @!p0 s1  }
0x160: {  	[bflag:$0x3] =	sbarrier.arrive $0xFFFF  }
0x161: {  	_ =	shalt  }

</sc_bundles>
